<compile_context>
chip_gen: v7x
topology: tpu7x:2x2x1
jax: 0.10.2.dev20260603
libtpu: 0.0.44.dev20260713+nightly
codegen_flags: <defaults>
</compile_context>

<pallas_src>
import functools

import jax
import jax.numpy as jnp
from jax import lax
from jax.experimental import pallas as pl
from jax.experimental.pallas import tpu as pltpu
from jax.experimental.pallas import tpu_sc as plsc

TEMPERATURE = 0.1
NUM_SUPER = 4096
NUM_RAW = 65536
D_FEAT = 64
NUM_CLASSES = 20

ROWS = 1024
N_MAIN_STEPS = NUM_RAW // ROWS

NEG = -1e30
TOPK = 10

N_TILES = 16
PTS = NUM_RAW // N_TILES
SUP = NUM_SUPER // N_TILES
HIST = NUM_CLASSES * NUM_SUPER
HSLICE = HIST // N_TILES
GCH = 128
N_GCH = PTS // GCH


def _sc_vote_body(idx_hbm, lab_hbm, sp_hbm,
                  labels_out, poslab_out, posfeat_out,
                  idx_v, lab_v, lin_v, ones_v, z_v, cls_v, labf_v,
                  posl_v, rows_v, hist_sh, lab_sh, sem, sem2):
    wid = lax.axis_index("s")
    p0 = wid * PTS
    s0 = wid * SUP
    plsc.subcore_barrier()

    def zero_body(i, _):
        z_v[pl.ds(i * 16, 16)] = jnp.zeros((16,), jnp.int32)
        return _
    lax.fori_loop(0, HSLICE // 16, zero_body, None)
    pltpu.sync_copy(z_v, hist_sh.at[pl.ds(wid * HSLICE, HSLICE)])

    pltpu.sync_copy(idx_hbm.at[pl.ds(p0, PTS)], idx_v)
    pltpu.sync_copy(lab_hbm.at[pl.ds(p0, PTS)], lab_v)

    def lin_body(i, _):
        v = lab_v[pl.ds(i * 16, 16)] * NUM_SUPER + idx_v[pl.ds(i * 16, 16)]
        lin_v[i // 8, pl.ds((i % 8) * 16, 16)] = v
        return _
    lax.fori_loop(0, PTS // 16, lin_body, None)
    for i in range(8):
        ones_v[pl.ds(i * 16, 16)] = jnp.ones((16,), jnp.int32)
    plsc.subcore_barrier()

    def scat_body(j, _):
        pltpu.sync_copy(ones_v, hist_sh.at[lin_v.at[j]], add=True)
        return _
    lax.fori_loop(0, PTS // 128, scat_body, None)
    plsc.subcore_barrier()

    for c in range(NUM_CLASSES):
        pltpu.sync_copy(hist_sh.at[pl.ds(c * NUM_SUPER + s0, SUP)],
                        cls_v.at[c])

    def amax_body(g, _):
        off = g * 16
        best = cls_v[0, pl.ds(off, 16)]
        bestc = jnp.zeros((16,), jnp.int32)
        for c in range(1, NUM_CLASSES):
            v = cls_v[c, pl.ds(off, 16)]
            m = v > best
            best = jnp.where(m, v, best)
            bestc = jnp.where(m, jnp.int32(c), bestc)
        labf_v[pl.ds(off, 16)] = bestc.astype(jnp.float32)
        return _
    lax.fori_loop(0, SUP // 16, amax_body, None)
    pltpu.sync_copy(labf_v, labels_out.at[pl.ds(s0, SUP)])
    pltpu.sync_copy(labf_v, lab_sh.at[pl.ds(s0, SUP)])
    plsc.subcore_barrier()

    def fg_body(k, _):
        idx_sl = idx_v.at[pl.ds(k * GCH, GCH)]
        lab_h = pltpu.async_copy(lab_sh.at[idx_sl],
                                 posl_v.at[pl.ds(k * GCH, GCH)], sem2)
        pltpu.async_copy(sp_hbm.at[idx_sl], rows_v, sem).wait()
        pltpu.sync_copy(rows_v, posfeat_out.at[pl.ds(p0 + k * GCH, GCH)])
        lab_h.wait()
        return _
    lax.fori_loop(0, N_GCH, fg_body, None)
    pltpu.sync_copy(posl_v, poslab_out.at[pl.ds(p0, PTS)])
    plsc.subcore_barrier()


@functools.partial(
    pl.kernel,
    out_type=(
        jax.ShapeDtypeStruct((NUM_SUPER,), jnp.float32),
        jax.ShapeDtypeStruct((NUM_RAW,), jnp.float32),
        jax.ShapeDtypeStruct((NUM_RAW, D_FEAT), jnp.float32),
    ),
    mesh=plsc.VectorSubcoreMesh(
        core_axis_name="c", subcore_axis_name="s", num_cores=1),
    compiler_params=pltpu.CompilerParams(use_tc_tiling_on_sc=False),
    scratch_types=[
        pltpu.VMEM((PTS,), jnp.int32),
        pltpu.VMEM((PTS,), jnp.int32),
        pltpu.VMEM((PTS // 128, 128), jnp.int32),
        pltpu.VMEM((128,), jnp.int32),
        pltpu.VMEM((HSLICE,), jnp.int32),
        pltpu.VMEM((NUM_CLASSES, SUP), jnp.int32),
        pltpu.VMEM((SUP,), jnp.float32),
        pltpu.VMEM((PTS,), jnp.float32),
        pltpu.VMEM((GCH, D_FEAT), jnp.float32),
        pltpu.VMEM_SHARED((HIST,), jnp.int32),
        pltpu.VMEM_SHARED((NUM_SUPER,), jnp.float32),
        pltpu.SemaphoreType.DMA,
        pltpu.SemaphoreType.DMA,
    ],
)
def _sc_vote(idx_hbm, lab_hbm, sp_hbm, labels_out, poslab_out, posfeat_out,
             *scratch):
    _sc_vote_body(idx_hbm, lab_hbm, sp_hbm,
                  labels_out, poslab_out, posfeat_out, *scratch)


def _main_body(sp_ref, rp_ref, pf_ref, posl_ref, labels_ref, out_ref,
               spn_ref):
    g = pl.program_id(0)

    @pl.when(g == 0)
    def _():
        sp = sp_ref[...]
        n0 = jnp.sqrt(jnp.sum(sp * sp, axis=1, keepdims=True))
        spn_ref[...] = sp / jnp.maximum(n0, 1e-12)
        out_ref[...] = jnp.zeros_like(out_ref)

    rp = rp_ref[...]
    n = jnp.sqrt(jnp.sum(rp * rp, axis=1, keepdims=True))
    rpn = rp / jnp.maximum(n, 1e-12)

    pf = pf_ref[...]
    pn = jnp.sqrt(jnp.sum(pf * pf, axis=1, keepdims=True))
    pfn = pf / jnp.maximum(pn, 1e-12)
    pos_logit = jnp.sum(rpn * pfn, axis=1,
                        keepdims=True) * (1.0 / TEMPERATURE)

    logits = lax.dot_general(
        rpn * (1.0 / TEMPERATURE), spn_ref[...], (((1,), (1,)), ((), ())),
        preferred_element_type=jnp.float32)

    labels_row = labels_ref[...]
    posl_col = posl_ref[...]

    m1 = None
    for c in range(NUM_SUPER // 128):
        sl = slice(c * 128, (c + 1) * 128)
        x = jnp.where(posl_col == labels_row[:, sl], NEG, logits[:, sl])
        if m1 is None:
            m1, m2 = x, jnp.full_like(x, NEG)
        else:
            lo = jnp.minimum(m1, x)
            m1 = jnp.maximum(m1, x)
            m2 = jnp.maximum(m2, lo)
    neg = jnp.concatenate([m1, m2], axis=1)

    thetas = [jnp.max(neg, axis=1, keepdims=True)]
    for _ in range(TOPK - 1):
        below = neg < thetas[-1]
        thetas.append(
            jnp.max(jnp.where(below, neg, NEG), axis=1, keepdims=True))

    acc = jnp.zeros((ROWS, 1), jnp.float32)
    for j in range(TOPK):
        acc += jnp.exp(thetas[j])

    pos_term = jnp.exp(pos_logit)
    loss = -jnp.log(pos_term / (pos_term + acc + 1e-8))
    out_ref[...] += jnp.sum(loss).reshape(1, 1) * (1.0 / NUM_RAW)


def kernel(superPoint_feat, rawPoint_feat, raw_to_super_index, label_inds):
    labels_f, pos_label, pos_feat = _sc_vote(
        raw_to_super_index, label_inds, superPoint_feat)

    posl_col = pos_label.reshape(NUM_RAW, 1)
    labels_row = labels_f.reshape(1, NUM_SUPER)

    total = pl.pallas_call(
        _main_body,
        grid=(N_MAIN_STEPS,),
        in_specs=[
            pl.BlockSpec((NUM_SUPER, D_FEAT), lambda g: (0, 0)),
            pl.BlockSpec((ROWS, D_FEAT), lambda g: (g, 0)),
            pl.BlockSpec((ROWS, D_FEAT), lambda g: (g, 0)),
            pl.BlockSpec((ROWS, 1), lambda g: (g, 0)),
            pl.BlockSpec((1, NUM_SUPER), lambda g: (0, 0)),
        ],
        out_specs=pl.BlockSpec((1, 1), lambda g: (0, 0)),
        out_shape=jax.ShapeDtypeStruct((1, 1), jnp.float32),
        scratch_shapes=[pltpu.VMEM((NUM_SUPER, D_FEAT), jnp.float32)],
    )(superPoint_feat, rawPoint_feat, pos_feat, posl_col, labels_row)

    return total[0, 0] * 0.1

# --- scband reference (transcript-rebuilt; emitter-appended) ---
"""Pipeline reference for scband-optimized-super-point-contrastive-loss-7146825581131 (READ-ONLY COPY).

The authoritative reference and input builder live on the scoring server;
editing this copy changes nothing except your own understanding.
"""

import jax, jax.numpy as jnp
import numpy as np

TEMPERATURE = 0.1
LOSS_WEIGHT = 1
BATCH_SIZE = 1024
TOTAL_WEIGHT = 0.1
NUM_SUPER = 4096
NUM_RAW = 65536
D_FEAT = 64
NUM_CLASSES = 20


def _l2norm(x):
    n = jnp.linalg.norm(x, ord=2, axis=1, keepdims=True)
    return x / jnp.clip(n, 1e-12, None)


def setup_inputs(seed: int = 0) -> dict:
    key = jax.random.key(seed)
    k1, k2, k3, k4 = jax.random.split(key, 4)
    superPoint_feat = jax.random.normal(k1, (NUM_SUPER, D_FEAT), dtype=jnp.float32)
    rawPoint_feat = jax.random.normal(k2, (NUM_RAW, D_FEAT), dtype=jnp.float32)
    raw_to_super_index = jax.random.randint(k3, (NUM_RAW,), 0, NUM_SUPER, dtype=jnp.int32)
    label_inds = jax.random.randint(k4, (NUM_RAW,), 0, NUM_CLASSES, dtype=jnp.int32)
    return {
        "superPoint_feat": superPoint_feat,
        "rawPoint_feat": rawPoint_feat,
        "raw_to_super_index": raw_to_super_index,
        "label_inds": label_inds,
    }


def reference(superPoint_feat, rawPoint_feat, raw_to_super_index, label_inds):
    rp = _l2norm(rawPoint_feat)
    sp = _l2norm(superPoint_feat)
    num_classes = NUM_CLASSES
    num_superpoints = sp.shape[0]
    linear_indices = raw_to_super_index * num_classes + label_inds
    counts = jnp.bincount(linear_indices, length=num_superpoints * num_classes)
    counts = counts.reshape(num_superpoints, num_classes)
    superPoint_labels = jnp.argmax(counts, axis=1)
    positive_super_feats = sp[raw_to_super_index]
    positive_super_labels = superPoint_labels[raw_to_super_index]
    n = rp.shape[0]
    total_loss = 0.0
    count = 0
    for start in range(0, n, BATCH_SIZE):
        end = min(start + BATCH_SIZE, n)
        b = end - start
        batch_raw = rp[start:end]
        batch_pos_feats = positive_super_feats[start:end]
        batch_pos_labels = positive_super_labels[start:end]
        positive_logits = jnp.sum(batch_raw * batch_pos_feats, axis=1, keepdims=True) / TEMPERATURE
        all_logits = jnp.matmul(batch_raw, sp.T) / TEMPERATURE
        idx = raw_to_super_index[start:end]
        mask = jnp.zeros((b, num_superpoints), dtype=bool).at[jnp.arange(b), idx].set(True)
        label_mask = batch_pos_labels[:, None] == superPoint_labels[None, :]
        combined_mask = mask | label_mask
        negative_logits = jnp.where(combined_mask, -jnp.inf, all_logits)
        hardest_negative_logits, _ = jax.lax.top_k(negative_logits, 10)
        pos_term = jnp.exp(positive_logits)
        neg_term = jnp.sum(jnp.exp(hardest_negative_logits), axis=1, keepdims=True)
        loss = -jnp.log(pos_term / (pos_term + neg_term + 1e-08)).mean()
        total_loss = total_loss + loss
        count += 1
    avg_loss = total_loss / count
    return avg_loss * LOSS_WEIGHT * TOTAL_WEIGHT

if __name__ == "__main__":
    import jax
    _d = setup_inputs()
    print(jax.jit(kernel)(*tuple(_d.values())))

</pallas_src>

<mosaic_0001>
#map = affine_map<(d0, d1) -> (0)>
#map1 = affine_map<(d0, d1) -> (0, 0)>
module attributes {stable_mosaic.version = 14 : i64} {
  func.func @_sc_vote(%arg0: i32, %arg1: i32, %arg2: memref<65536xi32, #tpu.memory_space<hbm>>, %arg3: memref<65536xi32, #tpu.memory_space<hbm>>, %arg4: memref<4096x64xf32, #tpu.memory_space<hbm>>, %arg5: memref<4096xf32, #tpu.memory_space<hbm>>, %arg6: memref<65536xf32, #tpu.memory_space<hbm>>, %arg7: memref<65536x64xf32, #tpu.memory_space<hbm>>, %arg8: memref<4096xi32, #tpu.memory_space<vmem>>, %arg9: memref<4096xi32, #tpu.memory_space<vmem>>, %arg10: memref<32x128xi32, #tpu.memory_space<vmem>>, %arg11: memref<128xi32, #tpu.memory_space<vmem>>, %arg12: memref<5120xi32, #tpu.memory_space<vmem>>, %arg13: memref<20x256xi32, #tpu.memory_space<vmem>>, %arg14: memref<256xf32, #tpu.memory_space<vmem>>, %arg15: memref<4096xf32, #tpu.memory_space<vmem>>, %arg16: memref<128x64xf32, #tpu.memory_space<vmem>>, %arg17: memref<81920xi32, #tpu.memory_space<vmem_shared>>, %arg18: memref<4096xf32, #tpu.memory_space<vmem_shared>>, %arg19: memref<!tpu.dma_semaphore, #tpu.memory_space<semaphore_mem>>, %arg20: memref<!tpu.dma_semaphore, #tpu.memory_space<semaphore_mem>>) attributes {dimension_semantics = [#tpu.dimension_semantics<core_parallel>, #tpu.dimension_semantics<subcore_parallel>], iteration_bounds = array<i64: 1, 16>, scalar_prefetch = 0 : i64, scratch_operands = 13 : i64, tpu.core_type = #tpu.core_type<sc_vector_subcore>, window_params = [{transform_indices = #map}, {transform_indices = #map}, {transform_indices = #map1}, {transform_indices = #map}, {transform_indices = #map}, {transform_indices = #map1}]} {
    %mul3A = arith.constant 4096 : i32
    %mul3A_0 = arith.muli %arg1, %mul3A : i32
    %mul3A_1 = arith.constant 256 : i32
    %mul3A_2 = arith.muli %arg1, %mul3A_1 : i32
    %barrier3A = arith.constant 0 : index
    tpu.barrier barrier_id(%barrier3A)
    %scan3A = arith.constant 0 : i32
    %scan3A_3 = arith.constant 320 : i32
    %scan3A_4 = arith.addi %scan3A, %scan3A_3 : i32
    %scan3A_5 = arith.constant 1 : i32
    scf.for %scan3A_137 = %scan3A to %scan3A_4 step %scan3A_5  : i32 {
      %broadcast_in_dim3A_138 = arith.constant 0 : i32
      %broadcast_in_dim3A_139 = vector.broadcast %broadcast_in_dim3A_138 : i32 to vector<16xi32>
      %mul3A_140 = arith.constant 16 : i32
      %mul3A_141 = arith.muli %scan3A_137, %mul3A_140 : i32
      %swap3A_142 = arith.index_cast %mul3A_141 : i32 to index
      %swap3A_143 = tpu.vector_load %arg12[%swap3A_142] {strides = array<i32>} : memref<5120xi32, #tpu.memory_space<vmem>>, vector<16xi32>,
      %swap3A_144 = vector.shape_cast %swap3A_143 : vector<16xi32> to vector<16xi32>
      %swap3A_145 = vector.shape_cast %broadcast_in_dim3A_139 : vector<16xi32> to vector<16xi32>
      tpu.vector_store %arg12[%swap3A_142], %swap3A_145 {strides = array<i32>} : memref<5120xi32, #tpu.memory_space<vmem>>, vector<16xi32>,
    }
    %scan3A_6 = arith.constant 320 : i32
    %mul3A_7 = arith.constant 5120 : i32
    %mul3A_8 = arith.muli %arg1, %mul3A_7 : i32
    "tpu.region"() ({
      %run_scoped3A_137 = tpu.sem_alloc : memref<!tpu.dma_semaphore, #tpu.memory_space<semaphore_mem>>
      %dma_start3A = tpu.memref_slice %arg17[%mul3A_8] : memref<81920xi32, #tpu.memory_space<vmem_shared>> -> memref<5120xi32, #tpu.memory_space<vmem_shared>>
      %dma_start3A_138 = tpu.memref_slice %arg17[%mul3A_8] : memref<81920xi32, #tpu.memory_space<vmem_shared>> -> memref<5120xi32, #tpu.memory_space<vmem_shared>>
      tpu.enqueue_dma source(%arg12 : memref<5120xi32, #tpu.memory_space<vmem>>) target(%dma_start3A_138 : memref<5120xi32, #tpu.memory_space<vmem_shared>>) target_semaphore(%run_scoped3A_137 : memref<!tpu.dma_semaphore, #tpu.memory_space<semaphore_mem>>)
      %dma_wait3A = tpu.memref_slice %arg17[%mul3A_8] : memref<81920xi32, #tpu.memory_space<vmem_shared>> -> memref<5120xi32, #tpu.memory_space<vmem_shared>>
      %dma_wait3A_139 = tpu.memref_slice %arg17[%mul3A_8] : memref<81920xi32, #tpu.memory_space<vmem_shared>> -> memref<5120xi32, #tpu.memory_space<vmem_shared>>
      tpu.wait_dma2 semaphore(%run_scoped3A_137 : memref<!tpu.dma_semaphore, #tpu.memory_space<semaphore_mem>>) src(%arg12 : memref<5120xi32, #tpu.memory_space<vmem>>) dst(%dma_wait3A_139 : memref<5120xi32, #tpu.memory_space<vmem_shared>>)
      tpu.yield
    }) : () -> ()
    "tpu.region"() ({
      %run_scoped3A_137 = tpu.sem_alloc : memref<!tpu.dma_semaphore, #tpu.memory_space<semaphore_mem>>
      %dma_start3A = tpu.memref_slice %arg2[%mul3A_0] : memref<65536xi32, #tpu.memory_space<hbm>> -> memref<4096xi32, #tpu.memory_space<hbm>>
      %dma_start3A_138 = tpu.memref_slice %arg2[%mul3A_0] : memref<65536xi32, #tpu.memory_space<hbm>> -> memref<4096xi32, #tpu.memory_space<hbm>>
      tpu.enqueue_dma source(%dma_start3A_138 : memref<4096xi32, #tpu.memory_space<hbm>>) target(%arg8 : memref<4096xi32, #tpu.memory_space<vmem>>) target_semaphore(%run_scoped3A_137 : memref<!tpu.dma_semaphore, #tpu.memory_space<semaphore_mem>>)
      %dma_wait3A = tpu.memref_slice %arg2[%mul3A_0] : memref<65536xi32, #tpu.memory_space<hbm>> -> memref<4096xi32, #tpu.memory_space<hbm>>
      %dma_wait3A_139 = tpu.memref_slice %arg2[%mul3A_0] : memref<65536xi32, #tpu.memory_space<hbm>> -> memref<4096xi32, #tpu.memory_space<hbm>>
      tpu.wait_dma2 semaphore(%run_scoped3A_137 : memref<!tpu.dma_semaphore, #tpu.memory_space<semaphore_mem>>) src(%dma_wait3A_139 : memref<4096xi32, #tpu.memory_space<hbm>>) dst(%arg8 : memref<4096xi32, #tpu.memory_space<vmem>>)
      tpu.yield
    }) : () -> ()
    "tpu.region"() ({
      %run_scoped3A_137 = tpu.sem_alloc : memref<!tpu.dma_semaphore, #tpu.memory_space<semaphore_mem>>
      %dma_start3A = tpu.memref_slice %arg3[%mul3A_0] : memref<65536xi32, #tpu.memory_space<hbm>> -> memref<4096xi32, #tpu.memory_space<hbm>>
      %dma_start3A_138 = tpu.memref_slice %arg3[%mul3A_0] : memref<65536xi32, #tpu.memory_space<hbm>> -> memref<4096xi32, #tpu.memory_space<hbm>>
      tpu.enqueue_dma source(%dma_start3A_138 : memref<4096xi32, #tpu.memory_space<hbm>>) target(%arg9 : memref<4096xi32, #tpu.memory_space<vmem>>) target_semaphore(%run_scoped3A_137 : memref<!tpu.dma_semaphore, #tpu.memory_space<semaphore_mem>>)
      %dma_wait3A = tpu.memref_slice %arg3[%mul3A_0] : memref<65536xi32, #tpu.memory_space<hbm>> -> memref<4096xi32, #tpu.memory_space<hbm>>
      %dma_wait3A_139 = tpu.memref_slice %arg3[%mul3A_0] : memref<65536xi32, #tpu.memory_space<hbm>> -> memref<4096xi32, #tpu.memory_space<hbm>>
      tpu.wait_dma2 semaphore(%run_scoped3A_137 : memref<!tpu.dma_semaphore, #tpu.memory_space<semaphore_mem>>) src(%dma_wait3A_139 : memref<4096xi32, #tpu.memory_space<hbm>>) dst(%arg9 : memref<4096xi32, #tpu.memory_space<vmem>>)
      tpu.yield
    }) : () -> ()
    %scan3A_9 = arith.constant 0 : i32
    %scan3A_10 = arith.constant 256 : i32
    %scan3A_11 = arith.addi %scan3A_9, %scan3A_10 : i32
    %scan3A_12 = arith.constant 1 : i32
    scf.for %scan3A_137 = %scan3A_9 to %scan3A_11 step %scan3A_12  : i32 {
      %mul3A_138 = arith.constant 16 : i32
      %mul3A_139 = arith.muli %scan3A_137, %mul3A_138 : i32
      %get3A = arith.index_cast %mul3A_139 : i32 to index
      %get3A_140 = tpu.vector_load %arg9[%get3A] {strides = array<i32>} : memref<4096xi32, #tpu.memory_space<vmem>>, vector<16xi32>,
      %get3A_141 = vector.shape_cast %get3A_140 : vector<16xi32> to vector<16xi32>
      %mul3A_142 = arith.constant 4096 : i32
      %mul3A_143 = vector.broadcast %mul3A_142 : i32 to vector<16xi32>
      %mul3A_144 = arith.muli %get3A_141, %mul3A_143 : vector<16xi32>
      %mul3A_145 = arith.constant 16 : i32
      %mul3A_146 = arith.muli %scan3A_137, %mul3A_145 : i32
      %get3A_147 = arith.index_cast %mul3A_146 : i32 to index
      %get3A_148 = tpu.vector_load %arg8[%get3A_147] {strides = array<i32>} : memref<4096xi32, #tpu.memory_space<vmem>>, vector<16xi32>,
      %get3A_149 = vector.shape_cast %get3A_148 : vector<16xi32> to vector<16xi32>
      %add3A_150 = arith.addi %mul3A_144, %get3A_149 : vector<16xi32>
      %jit3A = arith.constant 8 : i32
      %div3A = arith.divsi %scan3A_137, %jit3A : i32
      %sign3A = arith.constant 0 : i32
      %sign3A_151 = arith.cmpi sgt, %scan3A_137, %sign3A : i32
      %sign3A_152 = arith.extui %sign3A_151 : i1 to i32
      %sign3A_153 = arith.constant 0 : i32
      %sign3A_154 = arith.cmpi slt, %scan3A_137, %sign3A_153 : i32
      %sign3A_155 = arith.extui %sign3A_154 : i1 to i32
      %sign3A_156 = arith.subi %sign3A_152, %sign3A_155 : i32
      %sign3A_157 = arith.constant 0 : i32
      %sign3A_158 = arith.cmpi sgt, %jit3A, %sign3A_157 : i32
      %sign3A_159 = arith.extui %sign3A_158 : i1 to i32
      %sign3A_160 = arith.constant 0 : i32
      %sign3A_161 = arith.cmpi slt, %jit3A, %sign3A_160 : i32
      %sign3A_162 = arith.extui %sign3A_161 : i1 to i32
      %sign3A_163 = arith.subi %sign3A_159, %sign3A_162 : i32
      %ne3A = arith.cmpi ne, %sign3A_156, %sign3A_163 : i32
      %rem3A = arith.remsi %scan3A_137, %jit3A : i32
      %ne3A_164 = arith.constant 0 : i32
      %ne3A_165 = arith.cmpi ne, %rem3A, %ne3A_164 : i32
      %and3A = arith.andi %ne3A, %ne3A_165 : i1
      %sub3A = arith.constant 1 : i32
      %sub3A_166 = arith.subi %div3A, %sub3A : i32
      %select_n3A = arith.select %and3A, %sub3A_166, %div3A : i32
      %jit3A_167 = arith.constant 8 : i32
      %eq3A = arith.constant 0 : i32
      %eq3A_168 = arith.cmpi eq, %jit3A_167, %eq3A : i32
      %jit3A_169 = arith.constant 1 : i32
      %select_n3A_170 = arith.select %eq3A_168, %jit3A_169, %jit3A_167 : i32
      %rem3A_171 = arith.remsi %scan3A_137, %select_n3A_170 : i32
      %ne3A_172 = arith.constant 0 : i32
      %ne3A_173 = arith.cmpi ne, %rem3A_171, %ne3A_172 : i32
      %lt3A = arith.constant 0 : i32
      %lt3A_174 = arith.cmpi slt, %rem3A_171, %lt3A : i32
      %lt3A_175 = arith.constant 0 : i32
      %lt3A_176 = arith.cmpi slt, %select_n3A_170, %lt3A_175 : i32
      %ne3A_177 = arith.xori %lt3A_174, %lt3A_176 : i1
      %and3A_178 = arith.andi %ne3A_177, %ne3A_173 : i1
      %add3A_179 = arith.addi %rem3A_171, %select_n3A_170 : i32
      %select_n3A_180 = arith.select %and3A_178, %add3A_179, %rem3A_171 : i32
      %mul3A_181 = arith.constant 16 : i32
      %mul3A_182 = arith.muli %select_n3A_180, %mul3A_181 : i32
      %swap3A_183 = arith.index_cast %select_n3A : i32 to index
      %swap3A_184 = arith.index_cast %mul3A_182 : i32 to index
      %swap3A_185 = tpu.vector_load %arg10[%swap3A_183, %swap3A_184] {strides = array<i32>} : memref<32x128xi32, #tpu.memory_space<vmem>>, vector<1x16xi32>,
      %swap3A_186 = vector.shape_cast %swap3A_185 : vector<1x16xi32> to vector<16xi32>
      %swap3A_187 = vector.shape_cast %add3A_150 : vector<16xi32> to vector<1x16xi32>
      tpu.vector_store %arg10[%swap3A_183, %swap3A_184], %swap3A_187 {strides = array<i32>} : memref<32x128xi32, #tpu.memory_space<vmem>>, vector<1x16xi32>,
    }
    %scan3A_13 = arith.constant 256 : i32
    %broadcast_in_dim3A = arith.constant 1 : i32
    %broadcast_in_dim3A_14 = vector.broadcast %broadcast_in_dim3A : i32 to vector<16xi32>
    %swap3A = arith.constant 0 : index
    %swap3A_15 = tpu.vector_load %arg11[%swap3A] {strides = array<i32>} : memref<128xi32, #tpu.memory_space<vmem>>, vector<16xi32>,
    %swap3A_16 = vector.shape_cast %swap3A_15 : vector<16xi32> to vector<16xi32>
    %swap3A_17 = vector.shape_cast %broadcast_in_dim3A_14 : vector<16xi32> to vector<16xi32>
    tpu.vector_store %arg11[%swap3A], %swap3A_17 {strides = array<i32>} : memref<128xi32, #tpu.memory_space<vmem>>, vector<16xi32>,
    %broadcast_in_dim3A_18 = arith.constant 1 : i32
    %broadcast_in_dim3A_19 = vector.broadcast %broadcast_in_dim3A_18 : i32 to vector<16xi32>
    %swap3A_20 = arith.constant 16 : index
    %swap3A_21 = tpu.vector_load %arg11[%swap3A_20] {strides = array<i32>} : memref<128xi32, #tpu.memory_space<vmem>>, vector<16xi32>,
    %swap3A_22 = vector.shape_cast %swap3A_21 : vector<16xi32> to vector<16xi32>
    %swap3A_23 = vector.shape_cast %broadcast_in_dim3A_19 : vector<16xi32> to vector<16xi32>
    tpu.vector_store %arg11[%swap3A_20], %swap3A_23 {strides = array<i32>} : memref<128xi32, #tpu.memory_space<vmem>>, vector<16xi32>,
    %broadcast_in_dim3A_24 = arith.constant 1 : i32
    %broadcast_in_dim3A_25 = vector.broadcast %broadcast_in_dim3A_24 : i32 to vector<16xi32>
    %swap3A_26 = arith.constant 32 : index
    %swap3A_27 = tpu.vector_load %arg11[%swap3A_26] {strides = array<i32>} : memref<128xi32, #tpu.memory_space<vmem>>, vector<16xi32>,
    %swap3A_28 = vector.shape_cast %swap3A_27 : vector<16xi32> to vector<16xi32>
    %swap3A_29 = vector.shape_cast %broadcast_in_dim3A_25 : vector<16xi32> to vector<16xi32>
    tpu.vector_store %arg11[%swap3A_26], %swap3A_29 {strides = array<i32>} : memref<128xi32, #tpu.memory_space<vmem>>, vector<16xi32>,
    %broadcast_in_dim3A_30 = arith.constant 1 : i32
    %broadcast_in_dim3A_31 = vector.broadcast %broadcast_in_dim3A_30 : i32 to vector<16xi32>
    %swap3A_32 = arith.constant 48 : index
    %swap3A_33 = tpu.vector_load %arg11[%swap3A_32] {strides = array<i32>} : memref<128xi32, #tpu.memory_space<vmem>>, vector<16xi32>,
    %swap3A_34 = vector.shape_cast %swap3A_33 : vector<16xi32> to vector<16xi32>
    %swap3A_35 = vector.shape_cast %broadcast_in_dim3A_31 : vector<16xi32> to vector<16xi32>
    tpu.vector_store %arg11[%swap3A_32], %swap3A_35 {strides = array<i32>} : memref<128xi32, #tpu.memory_space<vmem>>, vector<16xi32>,
    %broadcast_in_dim3A_36 = arith.constant 1 : i32
    %broadcast_in_dim3A_37 = vector.broadcast %broadcast_in_dim3A_36 : i32 to vector<16xi32>
    %swap3A_38 = arith.constant 64 : index
    %swap3A_39 = tpu.vector_load %arg11[%swap3A_38] {strides = array<i32>} : memref<128xi32, #tpu.memory_space<vmem>>, vector<16xi32>,
    %swap3A_40 = vector.shape_cast %swap3A_39 : vector<16xi32> to vector<16xi32>
    %swap3A_41 = vector.shape_cast %broadcast_in_dim3A_37 : vector<16xi32> to vector<16xi32>
    tpu.vector_store %arg11[%swap3A_38], %swap3A_41 {strides = array<i32>} : memref<128xi32, #tpu.memory_space<vmem>>, vector<16xi32>,
    %broadcast_in_dim3A_42 = arith.constant 1 : i32
    %broadcast_in_dim3A_43 = vector.broadcast %broadcast_in_dim3A_42 : i32 to vector<16xi32>
    %swap3A_44 = arith.constant 80 : index
    %swap3A_45 = tpu.vector_load %arg11[%swap3A_44] {strides = array<i32>} : memref<128xi32, #tpu.memory_space<vmem>>, vector<16xi32>,
    %swap3A_46 = vector.shape_cast %swap3A_45 : vector<16xi32> to vector<16xi32>
    %swap3A_47 = vector.shape_cast %broadcast_in_dim3A_43 : vector<16xi32> to vector<16xi32>
    tpu.vector_store %arg11[%swap3A_44], %swap3A_47 {strides = array<i32>} : memref<128xi32, #tpu.memory_space<vmem>>, vector<16xi32>,
    %broadcast_in_dim3A_48 = arith.constant 1 : i32
    %broadcast_in_dim3A_49 = vector.broadcast %broadcast_in_dim3A_48 : i32 to vector<16xi32>
    %swap3A_50 = arith.constant 96 : index
    %swap3A_51 = tpu.vector_load %arg11[%swap3A_50] {strides = array<i32>} : memref<128xi32, #tpu.memory_space<vmem>>, vector<16xi32>,
    %swap3A_52 = vector.shape_cast %swap3A_51 : vector<16xi32> to vector<16xi32>
    %swap3A_53 = vector.shape_cast %broadcast_in_dim3A_49 : vector<16xi32> to vector<16xi32>
    tpu.vector_store %arg11[%swap3A_50], %swap3A_53 {strides = array<i32>} : memref<128xi32, #tpu.memory_space<vmem>>, vector<16xi32>,
    %broadcast_in_dim3A_54 = arith.constant 1 : i32
    %broadcast_in_dim3A_55 = vector.broadcast %broadcast_in_dim3A_54 : i32 to vector<16xi32>
    %swap3A_56 = arith.constant 112 : index
    %swap3A_57 = tpu.vector_load %arg11[%swap3A_56] {strides = array<i32>} : memref<128xi32, #tpu.memory_space<vmem>>, vector<16xi32>,
    %swap3A_58 = vector.shape_cast %swap3A_57 : vector<16xi32> to vector<16xi32>
    %swap3A_59 = vector.shape_cast %broadcast_in_dim3A_55 : vector<16xi32> to vector<16xi32>
    tpu.vector_store %arg11[%swap3A_56], %swap3A_59 {strides = array<i32>} : memref<128xi32, #tpu.memory_space<vmem>>, vector<16xi32>,
    %barrier3A_60 = arith.constant 0 : index
    tpu.barrier barrier_id(%barrier3A_60)
    %scan3A_61 = arith.constant 0 : i32
    %scan3A_62 = arith.constant 32 : i32
    %scan3A_63 = arith.addi %scan3A_61, %scan3A_62 : i32
    %scan3A_64 = arith.constant 1 : i32
    scf.for %scan3A_137 = %scan3A_61 to %scan3A_63 step %scan3A_64  : i32 {
      "tpu.region"() ({
        %run_scoped3A_138 = tpu.sem_alloc : memref<!tpu.dma_semaphore, #tpu.memory_space<semaphore_mem>>
        %dma_start3A = arith.constant 0 : i32
        %dma_start3A_139 = tpu.memref_slice %arg10[%scan3A_137, %dma_start3A] : memref<32x128xi32, #tpu.memory_space<vmem>> -> memref<1x128xi32, #tpu.memory_space<vmem>>
        %dma_start3A_140 = tpu.memref_squeeze %dma_start3A_139 : memref<1x128xi32, #tpu.memory_space<vmem>> -> memref<128xi32, #tpu.memory_space<vmem>>
        %dma_start3A_141 = arith.constant 0 : i32
        %dma_start3A_142 = tpu.memref_slice %arg17[%dma_start3A_141] : memref<81920xi32, #tpu.memory_space<vmem_shared>> -> memref<81920xi32, #tpu.memory_space<vmem_shared>>
        tpu.enqueue_indirect_dma source(%arg11 : memref<128xi32, #tpu.memory_space<vmem>>) target(%dma_start3A_142 : memref<81920xi32, #tpu.memory_space<vmem_shared>>) offsets(%dma_start3A_140 : memref<128xi32, #tpu.memory_space<vmem>>) semaphore(%run_scoped3A_138 : memref<!tpu.dma_semaphore, #tpu.memory_space<semaphore_mem>>) {add = true}
        %dma_wait3A = arith.constant 0 : i32
        %dma_wait3A_143 = tpu.memref_slice %arg10[%scan3A_137, %dma_wait3A] : memref<32x128xi32, #tpu.memory_space<vmem>> -> memref<1x128xi32, #tpu.memory_space<vmem>>
        %dma_wait3A_144 = tpu.memref_squeeze %dma_wait3A_143 : memref<1x128xi32, #tpu.memory_space<vmem>> -> memref<128xi32, #tpu.memory_space<vmem>>
        %dma_wait3A_145 = arith.constant 0 : i32
        %dma_wait3A_146 = tpu.memref_slice %arg17[%dma_wait3A_145] : memref<81920xi32, #tpu.memory_space<vmem_shared>> -> memref<81920xi32, #tpu.memory_space<vmem_shared>>
        tpu.wait_indirect_dma semaphore(%run_scoped3A_138 : memref<!tpu.dma_semaphore, #tpu.memory_space<semaphore_mem>>) src(%arg11 : memref<128xi32, #tpu.memory_space<vmem>>) dst(%dma_wait3A_146 : memref<81920xi32, #tpu.memory_space<vmem_shared>>)
        tpu.yield
      }) : () -> ()
    }
    %scan3A_65 = arith.constant 32 : i32
    %barrier3A_66 = arith.constant 0 : index
    tpu.barrier barrier_id(%barrier3A_66)
    %add3A = arith.constant 0 : i32
    %add3A_67 = arith.addi %add3A, %mul3A_2 : i32
    %run_scoped3A = arith.constant 0 : i32
    "tpu.region"() ({
      %run_scoped3A_137 = tpu.sem_alloc : memref<!tpu.dma_semaphore, #tpu.memory_space<semaphore_mem>>
      %dma_start3A = arith.constant 0 : i32
      %dma_start3A_138 = tpu.memref_slice %arg13[%run_scoped3A, %dma_start3A] : memref<20x256xi32, #tpu.memory_space<vmem>> -> memref<1x256xi32, #tpu.memory_space<vmem>>
      %dma_start3A_139 = tpu.memref_squeeze %dma_start3A_138 : memref<1x256xi32, #tpu.memory_space<vmem>> -> memref<256xi32, #tpu.memory_space<vmem>>
      %dma_start3A_140 = tpu.memref_slice %arg17[%add3A_67] : memref<81920xi32, #tpu.memory_space<vmem_shared>> -> memref<256xi32, #tpu.memory_space<vmem_shared>>
      %dma_start3A_141 = arith.constant 0 : i32
      %dma_start3A_142 = tpu.memref_slice %arg13[%run_scoped3A, %dma_start3A_141] : memref<20x256xi32, #tpu.memory_space<vmem>> -> memref<1x256xi32, #tpu.memory_space<vmem>>
      %dma_start3A_143 = tpu.memref_squeeze %dma_start3A_142 : memref<1x256xi32, #tpu.memory_space<vmem>> -> memref<256xi32, #tpu.memory_space<vmem>>
      %dma_start3A_144 = tpu.memref_slice %arg17[%add3A_67] : memref<81920xi32, #tpu.memory_space<vmem_shared>> -> memref<256xi32, #tpu.memory_space<vmem_shared>>
      tpu.enqueue_dma source(%dma_start3A_144 : memref<256xi32, #tpu.memory_space<vmem_shared>>) target(%dma_start3A_143 : memref<256xi32, #tpu.memory_space<vmem>>) target_semaphore(%run_scoped3A_137 : memref<!tpu.dma_semaphore, #tpu.memory_space<semaphore_mem>>)
      %dma_wait3A = arith.constant 0 : i32
      %dma_wait3A_145 = tpu.memref_slice %arg13[%run_scoped3A, %dma_wait3A] : memref<20x256xi32, #tpu.memory_space<vmem>> -> memref<1x256xi32, #tpu.memory_space<vmem>>
      %dma_wait3A_146 = tpu.memref_squeeze %dma_wait3A_145 : memref<1x256xi32, #tpu.memory_space<vmem>> -> memref<256xi32, #tpu.memory_space<vmem>>
      %dma_wait3A_147 = tpu.memref_slice %arg17[%add3A_67] : memref<81920xi32, #tpu.memory_space<vmem_shared>> -> memref<256xi32, #tpu.memory_space<vmem_shared>>
      %dma_wait3A_148 = arith.constant 0 : i32
      %dma_wait3A_149 = tpu.memref_slice %arg13[%run_scoped3A, %dma_wait3A_148] : memref<20x256xi32, #tpu.memory_space<vmem>> -> memref<1x256xi32, #tpu.memory_space<vmem>>
      %dma_wait3A_150 = tpu.memref_squeeze %dma_wait3A_149 : memref<1x256xi32, #tpu.memory_space<vmem>> -> memref<256xi32, #tpu.memory_space<vmem>>
      %dma_wait3A_151 = tpu.memref_slice %arg17[%add3A_67] : memref<81920xi32, #tpu.memory_space<vmem_shared>> -> memref<256xi32, #tpu.memory_space<vmem_shared>>
      tpu.wait_dma2 semaphore(%run_scoped3A_137 : memref<!tpu.dma_semaphore, #tpu.memory_space<semaphore_mem>>) src(%dma_wait3A_151 : memref<256xi32, #tpu.memory_space<vmem_shared>>) dst(%dma_wait3A_150 : memref<256xi32, #tpu.memory_space<vmem>>)
      tpu.yield
    }) : () -> ()
    %add3A_68 = arith.constant 4096 : i32
    %add3A_69 = arith.addi %add3A_68, %mul3A_2 : i32
    %run_scoped3A_70 = arith.constant 1 : i32
    "tpu.region"() ({
      %run_scoped3A_137 = tpu.sem_alloc : memref<!tpu.dma_semaphore, #tpu.memory_space<semaphore_mem>>
      %dma_start3A = arith.constant 0 : i32
      %dma_start3A_138 = tpu.memref_slice %arg13[%run_scoped3A_70, %dma_start3A] : memref<20x256xi32, #tpu.memory_space<vmem>> -> memref<1x256xi32, #tpu.memory_space<vmem>>
      %dma_start3A_139 = tpu.memref_squeeze %dma_start3A_138 : memref<1x256xi32, #tpu.memory_space<vmem>> -> memref<256xi32, #tpu.memory_space<vmem>>
      %dma_start3A_140 = tpu.memref_slice %arg17[%add3A_69] : memref<81920xi32, #tpu.memory_space<vmem_shared>> -> memref<256xi32, #tpu.memory_space<vmem_shared>>
      %dma_start3A_141 = arith.constant 0 : i32
      %dma_start3A_142 = tpu.memref_slice %arg13[%run_scoped3A_70, %dma_start3A_141] : memref<20x256xi32, #tpu.memory_space<vmem>> -> memref<1x256xi32, #tpu.memory_space<vmem>>
      %dma_start3A_143 = tpu.memref_squeeze %dma_start3A_142 : memref<1x256xi32, #tpu.memory_space<vmem>> -> memref<256xi32, #tpu.memory_space<vmem>>
      %dma_start3A_144 = tpu.memref_slice %arg17[%add3A_69] : memref<81920xi32, #tpu.memory_space<vmem_shared>> -> memref<256xi32, #tpu.memory_space<vmem_shared>>
      tpu.enqueue_dma source(%dma_start3A_144 : memref<256xi32, #tpu.memory_space<vmem_shared>>) target(%dma_start3A_143 : memref<256xi32, #tpu.memory_space<vmem>>) target_semaphore(%run_scoped3A_137 : memref<!tpu.dma_semaphore, #tpu.memory_space<semaphore_mem>>)
      %dma_wait3A = arith.constant 0 : i32
      %dma_wait3A_145 = tpu.memref_slice %arg13[%run_scoped3A_70, %dma_wait3A] : memref<20x256xi32, #tpu.memory_space<vmem>> -> memref<1x256xi32, #tpu.memory_space<vmem>>
      %dma_wait3A_146 = tpu.memref_squeeze %dma_wait3A_145 : memref<1x256xi32, #tpu.memory_space<vmem>> -> memref<256xi32, #tpu.memory_space<vmem>>
      %dma_wait3A_147 = tpu.memref_slice %arg17[%add3A_69] : memref<81920xi32, #tpu.memory_space<vmem_shared>> -> memref<256xi32, #tpu.memory_space<vmem_shared>>
      %dma_wait3A_148 = arith.constant 0 : i32
      %dma_wait3A_149 = tpu.memref_slice %arg13[%run_scoped3A_70, %dma_wait3A_148] : memref<20x256xi32, #tpu.memory_space<vmem>> -> memref<1x256xi32, #tpu.memory_space<vmem>>
      %dma_wait3A_150 = tpu.memref_squeeze %dma_wait3A_149 : memref<1x256xi32, #tpu.memory_space<vmem>> -> memref<256xi32, #tpu.memory_space<vmem>>
      %dma_wait3A_151 = tpu.memref_slice %arg17[%add3A_69] : memref<81920xi32, #tpu.memory_space<vmem_shared>> -> memref<256xi32, #tpu.memory_space<vmem_shared>>
      tpu.wait_dma2 semaphore(%run_scoped3A_137 : memref<!tpu.dma_semaphore, #tpu.memory_space<semaphore_mem>>) src(%dma_wait3A_151 : memref<256xi32, #tpu.memory_space<vmem_shared>>) dst(%dma_wait3A_150 : memref<256xi32, #tpu.memory_space<vmem>>)
      tpu.yield
    }) : () -> ()
    %add3A_71 = arith.constant 8192 : i32
    %add3A_72 = arith.addi %add3A_71, %mul3A_2 : i32
    %run_scoped3A_73 = arith.constant 2 : i32
    "tpu.region"() ({
      %run_scoped3A_137 = tpu.sem_alloc : memref<!tpu.dma_semaphore, #tpu.memory_space<semaphore_mem>>
      %dma_start3A = arith.constant 0 : i32
      %dma_start3A_138 = tpu.memref_slice %arg13[%run_scoped3A_73, %dma_start3A] : memref<20x256xi32, #tpu.memory_space<vmem>> -> memref<1x256xi32, #tpu.memory_space<vmem>>
      %dma_start3A_139 = tpu.memref_squeeze %dma_start3A_138 : memref<1x256xi32, #tpu.memory_space<vmem>> -> memref<256xi32, #tpu.memory_space<vmem>>
      %dma_start3A_140 = tpu.memref_slice %arg17[%add3A_72] : memref<81920xi32, #tpu.memory_space<vmem_shared>> -> memref<256xi32, #tpu.memory_space<vmem_shared>>
      %dma_start3A_141 = arith.constant 0 : i32
      %dma_start3A_142 = tpu.memref_slice %arg13[%run_scoped3A_73, %dma_start3A_141] : memref<20x256xi32, #tpu.memory_space<vmem>> -> memref<1x256xi32, #tpu.memory_space<vmem>>
      %dma_start3A_143 = tpu.memref_squeeze %dma_start3A_142 : memref<1x256xi32, #tpu.memory_space<vmem>> -> memref<256xi32, #tpu.memory_space<vmem>>
      %dma_start3A_144 = tpu.memref_slice %arg17[%add3A_72] : memref<81920xi32, #tpu.memory_space<vmem_shared>> -> memref<256xi32, #tpu.memory_space<vmem_shared>>
      tpu.enqueue_dma source(%dma_start3A_144 : memref<256xi32, #tpu.memory_space<vmem_shared>>) target(%dma_start3A_143 : memref<256xi32, #tpu.memory_space<vmem>>) target_semaphore(%run_scoped3A_137 : memref<!tpu.dma_semaphore, #tpu.memory_space<semaphore_mem>>)
      %dma_wait3A = arith.constant 0 : i32
      %dma_wait3A_145 = tpu.memref_slice %arg13[%run_scoped3A_73, %dma_wait3A] : memref<20x256xi32, #tpu.memory_space<vmem>> -> memref<1x256xi32, #tpu.memory_space<vmem>>
      %dma_wait3A_146 = tpu.memref_squeeze %dma_wait3A_145 : memref<1x256xi32, #tpu.memory_space<vmem>> -> memref<256xi32, #tpu.memory_space<vmem>>
      %dma_wait3A_147 = tpu.memref_slice %arg17[%add3A_72] : memref<81920xi32, #tpu.memory_space<vmem_shared>> -> memref<256xi32, #tpu.memory_space<vmem_shared>>
      %dma_wait3A_148 = arith.constant 0 : i32
      %dma_wait3A_149 = tpu.memref_slice %arg13[%run_scoped3A_73, %dma_wait3A_148] : memref<20x256xi32, #tpu.memory_space<vmem>> -> memref<1x256xi32, #tpu.memory_space<vmem>>
      %dma_wait3A_150 = tpu.memref_squeeze %dma_wait3A_149 : memref<1x256xi32, #tpu.memory_space<vmem>> -> memref<256xi32, #tpu.memory_space<vmem>>
      %dma_wait3A_151 = tpu.memref_slice %arg17[%add3A_72] : memref<81920xi32, #tpu.memory_space<vmem_shared>> -> memref<256xi32, #tpu.memory_space<vmem_shared>>
      tpu.wait_dma2 semaphore(%run_scoped3A_137 : memref<!tpu.dma_semaphore, #tpu.memory_space<semaphore_mem>>) src(%dma_wait3A_151 : memref<256xi32, #tpu.memory_space<vmem_shared>>) dst(%dma_wait3A_150 : memref<256xi32, #tpu.memory_space<vmem>>)
      tpu.yield
    }) : () -> ()
    %add3A_74 = arith.constant 12288 : i32
    %add3A_75 = arith.addi %add3A_74, %mul3A_2 : i32
    %run_scoped3A_76 = arith.constant 3 : i32
    "tpu.region"() ({
      %run_scoped3A_137 = tpu.sem_alloc : memref<!tpu.dma_semaphore, #tpu.memory_space<semaphore_mem>>
      %dma_start3A = arith.constant 0 : i32
      %dma_start3A_138 = tpu.memref_slice %arg13[%run_scoped3A_76, %dma_start3A] : memref<20x256xi32, #tpu.memory_space<vmem>> -> memref<1x256xi32, #tpu.memory_space<vmem>>
      %dma_start3A_139 = tpu.memref_squeeze %dma_start3A_138 : memref<1x256xi32, #tpu.memory_space<vmem>> -> memref<256xi32, #tpu.memory_space<vmem>>
      %dma_start3A_140 = tpu.memref_slice %arg17[%add3A_75] : memref<81920xi32, #tpu.memory_space<vmem_shared>> -> memref<256xi32, #tpu.memory_space<vmem_shared>>
      %dma_start3A_141 = arith.constant 0 : i32
      %dma_start3A_142 = tpu.memref_slice %arg13[%run_scoped3A_76, %dma_start3A_141] : memref<20x256xi32, #tpu.memory_space<vmem>> -> memref<1x256xi32, #tpu.memory_space<vmem>>
      %dma_start3A_143 = tpu.memref_squeeze %dma_start3A_142 : memref<1x256xi32, #tpu.memory_space<vmem>> -> memref<256xi32, #tpu.memory_space<vmem>>
      %dma_start3A_144 = tpu.memref_slice %arg17[%add3A_75] : memref<81920xi32, #tpu.memory_space<vmem_shared>> -> memref<256xi32, #tpu.memory_space<vmem_shared>>
      tpu.enqueue_dma source(%dma_start3A_144 : memref<256xi32, #tpu.memory_space<vmem_shared>>) target(%dma_start3A_143 : memref<256xi32, #tpu.memory_space<vmem>>) target_semaphore(%run_scoped3A_137 : memref<!tpu.dma_semaphore, #tpu.memory_space<semaphore_mem>>)
      %dma_wait3A = arith.constant 0 : i32
      %dma_wait3A_145 = tpu.memref_slice %arg13[%run_scoped3A_76, %dma_wait3A] : memref<20x256xi32, #tpu.memory_space<vmem>> -> memref<1x256xi32, #tpu.memory_space<vmem>>
      %dma_wait3A_146 = tpu.memref_squeeze %dma_wait3A_145 : memref<1x256xi32, #tpu.memory_space<vmem>> -> memref<256xi32, #tpu.memory_space<vmem>>
      %dma_wait3A_147 = tpu.memref_slice %arg17[%add3A_75] : memref<81920xi32, #tpu.memory_space<vmem_shared>> -> memref<256xi32, #tpu.memory_space<vmem_shared>>
      %dma_wait3A_148 = arith.constant 0 : i32
      %dma_wait3A_149 = tpu.memref_slice %arg13[%run_scoped3A_76, %dma_wait3A_148] : memref<20x256xi32, #tpu.memory_space<vmem>> -> memref<1x256xi32, #tpu.memory_space<vmem>>
      %dma_wait3A_150 = tpu.memref_squeeze %dma_wait3A_149 : memref<1x256xi32, #tpu.memory_space<vmem>> -> memref<256xi32, #tpu.memory_space<vmem>>
      %dma_wait3A_151 = tpu.memref_slice %arg17[%add3A_75] : memref<81920xi32, #tpu.memory_space<vmem_shared>> -> memref<256xi32, #tpu.memory_space<vmem_shared>>
      tpu.wait_dma2 semaphore(%run_scoped3A_137 : memref<!tpu.dma_semaphore, #tpu.memory_space<semaphore_mem>>) src(%dma_wait3A_151 : memref<256xi32, #tpu.memory_space<vmem_shared>>) dst(%dma_wait3A_150 : memref<256xi32, #tpu.memory_space<vmem>>)
      tpu.yield
    }) : () -> ()
    %add3A_77 = arith.constant 16384 : i32
    %add3A_78 = arith.addi %add3A_77, %mul3A_2 : i32
    %run_scoped3A_79 = arith.constant 4 : i32
    "tpu.region"() ({
      %run_scoped3A_137 = tpu.sem_alloc : memref<!tpu.dma_semaphore, #tpu.memory_space<semaphore_mem>>
      %dma_start3A = arith.constant 0 : i32
      %dma_start3A_138 = tpu.memref_slice %arg13[%run_scoped3A_79, %dma_start3A] : memref<20x256xi32, #tpu.memory_space<vmem>> -> memref<1x256xi32, #tpu.memory_space<vmem>>
      %dma_start3A_139 = tpu.memref_squeeze %dma_start3A_138 : memref<1x256xi32, #tpu.memory_space<vmem>> -> memref<256xi32, #tpu.memory_space<vmem>>
      %dma_start3A_140 = tpu.memref_slice %arg17[%add3A_78] : memref<81920xi32, #tpu.memory_space<vmem_shared>> -> memref<256xi32, #tpu.memory_space<vmem_shared>>
      %dma_start3A_141 = arith.constant 0 : i32
      %dma_start3A_142 = tpu.memref_slice %arg13[%run_scoped3A_79, %dma_start3A_141] : memref<20x256xi32, #tpu.memory_space<vmem>> -> memref<1x256xi32, #tpu.memory_space<vmem>>
      %dma_start3A_143 = tpu.memref_squeeze %dma_start3A_142 : memref<1x256xi32, #tpu.memory_space<vmem>> -> memref<256xi32, #tpu.memory_space<vmem>>
      %dma_start3A_144 = tpu.memref_slice %arg17[%add3A_78] : memref<81920xi32, #tpu.memory_space<vmem_shared>> -> memref<256xi32, #tpu.memory_space<vmem_shared>>
      tpu.enqueue_dma source(%dma_start3A_144 : memref<256xi32, #tpu.memory_space<vmem_shared>>) target(%dma_start3A_143 : memref<256xi32, #tpu.memory_space<vmem>>) target_semaphore(%run_scoped3A_137 : memref<!tpu.dma_semaphore, #tpu.memory_space<semaphore_mem>>)
      %dma_wait3A = arith.constant 0 : i32
      %dma_wait3A_145 = tpu.memref_slice %arg13[%run_scoped3A_79, %dma_wait3A] : memref<20x256xi32, #tpu.memory_space<vmem>> -> memref<1x256xi32, #tpu.memory_space<vmem>>
      %dma_wait3A_146 = tpu.memref_squeeze %dma_wait3A_145 : memref<1x256xi32, #tpu.memory_space<vmem>> -> memref<256xi32, #tpu.memory_space<vmem>>
      %dma_wait3A_147 = tpu.memref_slice %arg17[%add3A_78] : memref<81920xi32, #tpu.memory_space<vmem_shared>> -> memref<256xi32, #tpu.memory_space<vmem_shared>>
      %dma_wait3A_148 = arith.constant 0 : i32
      %dma_wait3A_149 = tpu.memref_slice %arg13[%run_scoped3A_79, %dma_wait3A_148] : memref<20x256xi32, #tpu.memory_space<vmem>> -> memref<1x256xi32, #tpu.memory_space<vmem>>
      %dma_wait3A_150 = tpu.memref_squeeze %dma_wait3A_149 : memref<1x256xi32, #tpu.memory_space<vmem>> -> memref<256xi32, #tpu.memory_space<vmem>>
      %dma_wait3A_151 = tpu.memref_slice %arg17[%add3A_78] : memref<81920xi32, #tpu.memory_space<vmem_shared>> -> memref<256xi32, #tpu.memory_space<vmem_shared>>
      tpu.wait_dma2 semaphore(%run_scoped3A_137 : memref<!tpu.dma_semaphore, #tpu.memory_space<semaphore_mem>>) src(%dma_wait3A_151 : memref<256xi32, #tpu.memory_space<vmem_shared>>) dst(%dma_wait3A_150 : memref<256xi32, #tpu.memory_space<vmem>>)
      tpu.yield
    }) : () -> ()
    %add3A_80 = arith.constant 20480 : i32
    %add3A_81 = arith.addi %add3A_80, %mul3A_2 : i32
    %run_scoped3A_82 = arith.constant 5 : i32
    "tpu.region"() ({
      %run_scoped3A_137 = tpu.sem_alloc : memref<!tpu.dma_semaphore, #tpu.memory_space<semaphore_mem>>
      %dma_start3A = arith.constant 0 : i32
      %dma_start3A_138 = tpu.memref_slice %arg13[%run_scoped3A_82, %dma_start3A] : memref<20x256xi32, #tpu.memory_space<vmem>> -> memref<1x256xi32, #tpu.memory_space<vmem>>
      %dma_start3A_139 = tpu.memref_squeeze %dma_start3A_138 : memref<1x256xi32, #tpu.memory_space<vmem>> -> memref<256xi32, #tpu.memory_space<vmem>>
      %dma_start3A_140 = tpu.memref_slice %arg17[%add3A_81] : memref<81920xi32, #tpu.memory_space<vmem_shared>> -> memref<256xi32, #tpu.memory_space<vmem_shared>>
      %dma_start3A_141 = arith.constant 0 : i32
      %dma_start3A_142 = tpu.memref_slice %arg13[%run_scoped3A_82, %dma_start3A_141] : memref<20x256xi32, #tpu.memory_space<vmem>> -> memref<1x256xi32, #tpu.memory_space<vmem>>
      %dma_start3A_143 = tpu.memref_squeeze %dma_start3A_142 : memref<1x256xi32, #tpu.memory_space<vmem>> -> memref<256xi32, #tpu.memory_space<vmem>>
      %dma_start3A_144 = tpu.memref_slice %arg17[%add3A_81] : memref<81920xi32, #tpu.memory_space<vmem_shared>> -> memref<256xi32, #tpu.memory_space<vmem_shared>>
      tpu.enqueue_dma source(%dma_start3A_144 : memref<256xi32, #tpu.memory_space<vmem_shared>>) target(%dma_start3A_143 : memref<256xi32, #tpu.memory_space<vmem>>) target_semaphore(%run_scoped3A_137 : memref<!tpu.dma_semaphore, #tpu.memory_space<semaphore_mem>>)
      %dma_wait3A = arith.constant 0 : i32
      %dma_wait3A_145 = tpu.memref_slice %arg13[%run_scoped3A_82, %dma_wait3A] : memref<20x256xi32, #tpu.memory_space<vmem>> -> memref<1x256xi32, #tpu.memory_space<vmem>>
      %dma_wait3A_146 = tpu.memref_squeeze %dma_wait3A_145 : memref<1x256xi32, #tpu.memory_space<vmem>> -> memref<256xi32, #tpu.memory_space<vmem>>
      %dma_wait3A_147 = tpu.memref_slice %arg17[%add3A_81] : memref<81920xi32, #tpu.memory_space<vmem_shared>> -> memref<256xi32, #tpu.memory_space<vmem_shared>>
      %dma_wait3A_148 = arith.constant 0 : i32
      %dma_wait3A_149 = tpu.memref_slice %arg13[%run_scoped3A_82, %dma_wait3A_148] : memref<20x256xi32, #tpu.memory_space<vmem>> -> memref<1x256xi32, #tpu.memory_space<vmem>>
      %dma_wait3A_150 = tpu.memref_squeeze %dma_wait3A_149 : memref<1x256xi32, #tpu.memory_space<vmem>> -> memref<256xi32, #tpu.memory_space<vmem>>
      %dma_wait3A_151 = tpu.memref_slice %arg17[%add3A_81] : memref<81920xi32, #tpu.memory_space<vmem_shared>> -> memref<256xi32, #tpu.memory_space<vmem_shared>>
      tpu.wait_dma2 semaphore(%run_scoped3A_137 : memref<!tpu.dma_semaphore, #tpu.memory_space<semaphore_mem>>) src(%dma_wait3A_151 : memref<256xi32, #tpu.memory_space<vmem_shared>>) dst(%dma_wait3A_150 : memref<256xi32, #tpu.memory_space<vmem>>)
      tpu.yield
    }) : () -> ()
    %add3A_83 = arith.constant 24576 : i32
    %add3A_84 = arith.addi %add3A_83, %mul3A_2 : i32
    %run_scoped3A_85 = arith.constant 6 : i32
    "tpu.region"() ({
      %run_scoped3A_137 = tpu.sem_alloc : memref<!tpu.dma_semaphore, #tpu.memory_space<semaphore_mem>>
      %dma_start3A = arith.constant 0 : i32
      %dma_start3A_138 = tpu.memref_slice %arg13[%run_scoped3A_85, %dma_start3A] : memref<20x256xi32, #tpu.memory_space<vmem>> -> memref<1x256xi32, #tpu.memory_space<vmem>>
      %dma_start3A_139 = tpu.memref_squeeze %dma_start3A_138 : memref<1x256xi32, #tpu.memory_space<vmem>> -> memref<256xi32, #tpu.memory_space<vmem>>
      %dma_start3A_140 = tpu.memref_slice %arg17[%add3A_84] : memref<81920xi32, #tpu.memory_space<vmem_shared>> -> memref<256xi32, #tpu.memory_space<vmem_shared>>
      %dma_start3A_141 = arith.constant 0 : i32
      %dma_start3A_142 = tpu.memref_slice %arg13[%run_scoped3A_85, %dma_start3A_141] : memref<20x256xi32, #tpu.memory_space<vmem>> -> memref<1x256xi32, #tpu.memory_space<vmem>>
      %dma_start3A_143 = tpu.memref_squeeze %dma_start3A_142 : memref<1x256xi32, #tpu.memory_space<vmem>> -> memref<256xi32, #tpu.memory_space<vmem>>
      %dma_start3A_144 = tpu.memref_slice %arg17[%add3A_84] : memref<81920xi32, #tpu.memory_space<vmem_shared>> -> memref<256xi32, #tpu.memory_space<vmem_shared>>
      tpu.enqueue_dma source(%dma_start3A_144 : memref<256xi32, #tpu.memory_space<vmem_shared>>) target(%dma_start3A_143 : memref<256xi32, #tpu.memory_space<vmem>>) target_semaphore(%run_scoped3A_137 : memref<!tpu.dma_semaphore, #tpu.memory_space<semaphore_mem>>)
      %dma_wait3A = arith.constant 0 : i32
      %dma_wait3A_145 = tpu.memref_slice %arg13[%run_scoped3A_85, %dma_wait3A] : memref<20x256xi32, #tpu.memory_space<vmem>> -> memref<1x256xi32, #tpu.memory_space<vmem>>
      %dma_wait3A_146 = tpu.memref_squeeze %dma_wait3A_145 : memref<1x256xi32, #tpu.memory_space<vmem>> -> memref<256xi32, #tpu.memory_space<vmem>>
      %dma_wait3A_147 = tpu.memref_slice %arg17[%add3A_84] : memref<81920xi32, #tpu.memory_space<vmem_shared>> -> memref<256xi32, #tpu.memory_space<vmem_shared>>
      %dma_wait3A_148 = arith.constant 0 : i32
      %dma_wait3A_149 = tpu.memref_slice %arg13[%run_scoped3A_85, %dma_wait3A_148] : memref<20x256xi32, #tpu.memory_space<vmem>> -> memref<1x256xi32, #tpu.memory_space<vmem>>
      %dma_wait3A_150 = tpu.memref_squeeze %dma_wait3A_149 : memref<1x256xi32, #tpu.memory_space<vmem>> -> memref<256xi32, #tpu.memory_space<vmem>>
      %dma_wait3A_151 = tpu.memref_slice %arg17[%add3A_84] : memref<81920xi32, #tpu.memory_space<vmem_shared>> -> memref<256xi32, #tpu.memory_space<vmem_shared>>
      tpu.wait_dma2 semaphore(%run_scoped3A_137 : memref<!tpu.dma_semaphore, #tpu.memory_space<semaphore_mem>>) src(%dma_wait3A_151 : memref<256xi32, #tpu.memory_space<vmem_shared>>) dst(%dma_wait3A_150 : memref<256xi32, #tpu.memory_space<vmem>>)
      tpu.yield
    }) : () -> ()
    %add3A_86 = arith.constant 28672 : i32
    %add3A_87 = arith.addi %add3A_86, %mul3A_2 : i32
    %run_scoped3A_88 = arith.constant 7 : i32
    "tpu.region"() ({
      %run_scoped3A_137 = tpu.sem_alloc : memref<!tpu.dma_semaphore, #tpu.memory_space<semaphore_mem>>
      %dma_start3A = arith.constant 0 : i32
      %dma_start3A_138 = tpu.memref_slice %arg13[%run_scoped3A_88, %dma_start3A] : memref<20x256xi32, #tpu.memory_space<vmem>> -> memref<1x256xi32, #tpu.memory_space<vmem>>
      %dma_start3A_139 = tpu.memref_squeeze %dma_start3A_138 : memref<1x256xi32, #tpu.memory_space<vmem>> -> memref<256xi32, #tpu.memory_space<vmem>>
      %dma_start3A_140 = tpu.memref_slice %arg17[%add3A_87] : memref<81920xi32, #tpu.memory_space<vmem_shared>> -> memref<256xi32, #tpu.memory_space<vmem_shared>>
      %dma_start3A_141 = arith.constant 0 : i32
      %dma_start3A_142 = tpu.memref_slice %arg13[%run_scoped3A_88, %dma_start3A_141] : memref<20x256xi32, #tpu.memory_space<vmem>> -> memref<1x256xi32, #tpu.memory_space<vmem>>
      %dma_start3A_143 = tpu.memref_squeeze %dma_start3A_142 : memref<1x256xi32, #tpu.memory_space<vmem>> -> memref<256xi32, #tpu.memory_space<vmem>>
      %dma_start3A_144 = tpu.memref_slice %arg17[%add3A_87] : memref<81920xi32, #tpu.memory_space<vmem_shared>> -> memref<256xi32, #tpu.memory_space<vmem_shared>>
      tpu.enqueue_dma source(%dma_start3A_144 : memref<256xi32, #tpu.memory_space<vmem_shared>>) target(%dma_start3A_143 : memref<256xi32, #tpu.memory_space<vmem>>) target_semaphore(%run_scoped3A_137 : memref<!tpu.dma_semaphore, #tpu.memory_space<semaphore_mem>>)
      %dma_wait3A = arith.constant 0 : i32
      %dma_wait3A_145 = tpu.memref_slice %arg13[%run_scoped3A_88, %dma_wait3A] : memref<20x256xi32, #tpu.memory_space<vmem>> -> memref<1x256xi32, #tpu.memory_space<vmem>>
      %dma_wait3A_146 = tpu.memref_squeeze %dma_wait3A_145 : memref<1x256xi32, #tpu.memory_space<vmem>> -> memref<256xi32, #tpu.memory_space<vmem>>
      %dma_wait3A_147 = tpu.memref_slice %arg17[%add3A_87] : memref<81920xi32, #tpu.memory_space<vmem_shared>> -> memref<256xi32, #tpu.memory_space<vmem_shared>>
      %dma_wait3A_148 = arith.constant 0 : i32
      %dma_wait3A_149 = tpu.memref_slice %arg13[%run_scoped3A_88, %dma_wait3A_148] : memref<20x256xi32, #tpu.memory_space<vmem>> -> memref<1x256xi32, #tpu.memory_space<vmem>>
      %dma_wait3A_150 = tpu.memref_squeeze %dma_wait3A_149 : memref<1x256xi32, #tpu.memory_space<vmem>> -> memref<256xi32, #tpu.memory_space<vmem>>
      %dma_wait3A_151 = tpu.memref_slice %arg17[%add3A_87] : memref<81920xi32, #tpu.memory_space<vmem_shared>> -> memref<256xi32, #tpu.memory_space<vmem_shared>>
      tpu.wait_dma2 semaphore(%run_scoped3A_137 : memref<!tpu.dma_semaphore, #tpu.memory_space<semaphore_mem>>) src(%dma_wait3A_151 : memref<256xi32, #tpu.memory_space<vmem_shared>>) dst(%dma_wait3A_150 : memref<256xi32, #tpu.memory_space<vmem>>)
      tpu.yield
    }) : () -> ()
    %add3A_89 = arith.constant 32768 : i32
    %add3A_90 = arith.addi %add3A_89, %mul3A_2 : i32
    %run_scoped3A_91 = arith.constant 8 : i32
    "tpu.region"() ({
      %run_scoped3A_137 = tpu.sem_alloc : memref<!tpu.dma_semaphore, #tpu.memory_space<semaphore_mem>>
      %dma_start3A = arith.constant 0 : i32
      %dma_start3A_138 = tpu.memref_slice %arg13[%run_scoped3A_91, %dma_start3A] : memref<20x256xi32, #tpu.memory_space<vmem>> -> memref<1x256xi32, #tpu.memory_space<vmem>>
      %dma_start3A_139 = tpu.memref_squeeze %dma_start3A_138 : memref<1x256xi32, #tpu.memory_space<vmem>> -> memref<256xi32, #tpu.memory_space<vmem>>
      %dma_start3A_140 = tpu.memref_slice %arg17[%add3A_90] : memref<81920xi32, #tpu.memory_space<vmem_shared>> -> memref<256xi32, #tpu.memory_space<vmem_shared>>
      %dma_start3A_141 = arith.constant 0 : i32
      %dma_start3A_142 = tpu.memref_slice %arg13[%run_scoped3A_91, %dma_start3A_141] : memref<20x256xi32, #tpu.memory_space<vmem>> -> memref<1x256xi32, #tpu.memory_space<vmem>>
      %dma_start3A_143 = tpu.memref_squeeze %dma_start3A_142 : memref<1x256xi32, #tpu.memory_space<vmem>> -> memref<256xi32, #tpu.memory_space<vmem>>
      %dma_start3A_144 = tpu.memref_slice %arg17[%add3A_90] : memref<81920xi32, #tpu.memory_space<vmem_shared>> -> memref<256xi32, #tpu.memory_space<vmem_shared>>
      tpu.enqueue_dma source(%dma_start3A_144 : memref<256xi32, #tpu.memory_space<vmem_shared>>) target(%dma_start3A_143 : memref<256xi32, #tpu.memory_space<vmem>>) target_semaphore(%run_scoped3A_137 : memref<!tpu.dma_semaphore, #tpu.memory_space<semaphore_mem>>)
      %dma_wait3A = arith.constant 0 : i32
      %dma_wait3A_145 = tpu.memref_slice %arg13[%run_scoped3A_91, %dma_wait3A] : memref<20x256xi32, #tpu.memory_space<vmem>> -> memref<1x256xi32, #tpu.memory_space<vmem>>
      %dma_wait3A_146 = tpu.memref_squeeze %dma_wait3A_145 : memref<1x256xi32, #tpu.memory_space<vmem>> -> memref<256xi32, #tpu.memory_space<vmem>>
      %dma_wait3A_147 = tpu.memref_slice %arg17[%add3A_90] : memref<81920xi32, #tpu.memory_space<vmem_shared>> -> memref<256xi32, #tpu.memory_space<vmem_shared>>
      %dma_wait3A_148 = arith.constant 0 : i32
      %dma_wait3A_149 = tpu.memref_slice %arg13[%run_scoped3A_91, %dma_wait3A_148] : memref<20x256xi32, #tpu.memory_space<vmem>> -> memref<1x256xi32, #tpu.memory_space<vmem>>
      %dma_wait3A_150 = tpu.memref_squeeze %dma_wait3A_149 : memref<1x256xi32, #tpu.memory_space<vmem>> -> memref<256xi32, #tpu.memory_space<vmem>>
      %dma_wait3A_151 = tpu.memref_slice %arg17[%add3A_90] : memref<81920xi32, #tpu.memory_space<vmem_shared>> -> memref<256xi32, #tpu.memory_space<vmem_shared>>
      tpu.wait_dma2 semaphore(%run_scoped3A_137 : memref<!tpu.dma_semaphore, #tpu.memory_space<semaphore_mem>>) src(%dma_wait3A_151 : memref<256xi32, #tpu.memory_space<vmem_shared>>) dst(%dma_wait3A_150 : memref<256xi32, #tpu.memory_space<vmem>>)
      tpu.yield
    }) : () -> ()
    %add3A_92 = arith.constant 36864 : i32
    %add3A_93 = arith.addi %add3A_92, %mul3A_2 : i32
    %run_scoped3A_94 = arith.constant 9 : i32
    "tpu.region"() ({
      %run_scoped3A_137 = tpu.sem_alloc : memref<!tpu.dma_semaphore, #tpu.memory_space<semaphore_mem>>
      %dma_start3A = arith.constant 0 : i32
      %dma_start3A_138 = tpu.memref_slice %arg13[%run_scoped3A_94, %dma_start3A] : memref<20x256xi32, #tpu.memory_space<vmem>> -> memref<1x256xi32, #tpu.memory_space<vmem>>
      %dma_start3A_139 = tpu.memref_squeeze %dma_start3A_138 : memref<1x256xi32, #tpu.memory_space<vmem>> -> memref<256xi32, #tpu.memory_space<vmem>>
      %dma_start3A_140 = tpu.memref_slice %arg17[%add3A_93] : memref<81920xi32, #tpu.memory_space<vmem_shared>> -> memref<256xi32, #tpu.memory_space<vmem_shared>>
      %dma_start3A_141 = arith.constant 0 : i32
      %dma_start3A_142 = tpu.memref_slice %arg13[%run_scoped3A_94, %dma_start3A_141] : memref<20x256xi32, #tpu.memory_space<vmem>> -> memref<1x256xi32, #tpu.memory_space<vmem>>
      %dma_start3A_143 = tpu.memref_squeeze %dma_start3A_142 : memref<1x256xi32, #tpu.memory_space<vmem>> -> memref<256xi32, #tpu.memory_space<vmem>>
      %dma_start3A_144 = tpu.memref_slice %arg17[%add3A_93] : memref<81920xi32, #tpu.memory_space<vmem_shared>> -> memref<256xi32, #tpu.memory_space<vmem_shared>>
      tpu.enqueue_dma source(%dma_start3A_144 : memref<256xi32, #tpu.memory_space<vmem_shared>>) target(%dma_start3A_143 : memref<256xi32, #tpu.memory_space<vmem>>) target_semaphore(%run_scoped3A_137 : memref<!tpu.dma_semaphore, #tpu.memory_space<semaphore_mem>>)
      %dma_wait3A = arith.constant 0 : i32
      %dma_wait3A_145 = tpu.memref_slice %arg13[%run_scoped3A_94, %dma_wait3A] : memref<20x256xi32, #tpu.memory_space<vmem>> -> memref<1x256xi32, #tpu.memory_space<vmem>>
      %dma_wait3A_146 = tpu.memref_squeeze %dma_wait3A_145 : memref<1x256xi32, #tpu.memory_space<vmem>> -> memref<256xi32, #tpu.memory_space<vmem>>
      %dma_wait3A_147 = tpu.memref_slice %arg17[%add3A_93] : memref<81920xi32, #tpu.memory_space<vmem_shared>> -> memref<256xi32, #tpu.memory_space<vmem_shared>>
      %dma_wait3A_148 = arith.constant 0 : i32
      %dma_wait3A_149 = tpu.memref_slice %arg13[%run_scoped3A_94, %dma_wait3A_148] : memref<20x256xi32, #tpu.memory_space<vmem>> -> memref<1x256xi32, #tpu.memory_space<vmem>>
      %dma_wait3A_150 = tpu.memref_squeeze %dma_wait3A_149 : memref<1x256xi32, #tpu.memory_space<vmem>> -> memref<256xi32, #tpu.memory_space<vmem>>
      %dma_wait3A_151 = tpu.memref_slice %arg17[%add3A_93] : memref<81920xi32, #tpu.memory_space<vmem_shared>> -> memref<256xi32, #tpu.memory_space<vmem_shared>>
      tpu.wait_dma2 semaphore(%run_scoped3A_137 : memref<!tpu.dma_semaphore, #tpu.memory_space<semaphore_mem>>) src(%dma_wait3A_151 : memref<256xi32, #tpu.memory_space<vmem_shared>>) dst(%dma_wait3A_150 : memref<256xi32, #tpu.memory_space<vmem>>)
      tpu.yield
    }) : () -> ()
    %add3A_95 = arith.constant 40960 : i32
    %add3A_96 = arith.addi %add3A_95, %mul3A_2 : i32
    %run_scoped3A_97 = arith.constant 10 : i32
    "tpu.region"() ({
      %run_scoped3A_137 = tpu.sem_alloc : memref<!tpu.dma_semaphore, #tpu.memory_space<semaphore_mem>>
      %dma_start3A = arith.constant 0 : i32
      %dma_start3A_138 = tpu.memref_slice %arg13[%run_scoped3A_97, %dma_start3A] : memref<20x256xi32, #tpu.memory_space<vmem>> -> memref<1x256xi32, #tpu.memory_space<vmem>>
      %dma_start3A_139 = tpu.memref_squeeze %dma_start3A_138 : memref<1x256xi32, #tpu.memory_space<vmem>> -> memref<256xi32, #tpu.memory_space<vmem>>
      %dma_start3A_140 = tpu.memref_slice %arg17[%add3A_96] : memref<81920xi32, #tpu.memory_space<vmem_shared>> -> memref<256xi32, #tpu.memory_space<vmem_shared>>
      %dma_start3A_141 = arith.constant 0 : i32
      %dma_start3A_142 = tpu.memref_slice %arg13[%run_scoped3A_97, %dma_start3A_141] : memref<20x256xi32, #tpu.memory_space<vmem>> -> memref<1x256xi32, #tpu.memory_space<vmem>>
      %dma_start3A_143 = tpu.memref_squeeze %dma_start3A_142 : memref<1x256xi32, #tpu.memory_space<vmem>> -> memref<256xi32, #tpu.memory_space<vmem>>
      %dma_start3A_144 = tpu.memref_slice %arg17[%add3A_96] : memref<81920xi32, #tpu.memory_space<vmem_shared>> -> memref<256xi32, #tpu.memory_space<vmem_shared>>
      tpu.enqueue_dma source(%dma_start3A_144 : memref<256xi32, #tpu.memory_space<vmem_shared>>) target(%dma_start3A_143 : memref<256xi32, #tpu.memory_space<vmem>>) target_semaphore(%run_scoped3A_137 : memref<!tpu.dma_semaphore, #tpu.memory_space<semaphore_mem>>)
      %dma_wait3A = arith.constant 0 : i32
      %dma_wait3A_145 = tpu.memref_slice %arg13[%run_scoped3A_97, %dma_wait3A] : memref<20x256xi32, #tpu.memory_space<vmem>> -> memref<1x256xi32, #tpu.memory_space<vmem>>
      %dma_wait3A_146 = tpu.memref_squeeze %dma_wait3A_145 : memref<1x256xi32, #tpu.memory_space<vmem>> -> memref<256xi32, #tpu.memory_space<vmem>>
      %dma_wait3A_147 = tpu.memref_slice %arg17[%add3A_96] : memref<81920xi32, #tpu.memory_space<vmem_shared>> -> memref<256xi32, #tpu.memory_space<vmem_shared>>
      %dma_wait3A_148 = arith.constant 0 : i32
      %dma_wait3A_149 = tpu.memref_slice %arg13[%run_scoped3A_97, %dma_wait3A_148] : memref<20x256xi32, #tpu.memory_space<vmem>> -> memref<1x256xi32, #tpu.memory_space<vmem>>
      %dma_wait3A_150 = tpu.memref_squeeze %dma_wait3A_149 : memref<1x256xi32, #tpu.memory_space<vmem>> -> memref<256xi32, #tpu.memory_space<vmem>>
      %dma_wait3A_151 = tpu.memref_slice %arg17[%add3A_96] : memref<81920xi32, #tpu.memory_space<vmem_shared>> -> memref<256xi32, #tpu.memory_space<vmem_shared>>
      tpu.wait_dma2 semaphore(%run_scoped3A_137 : memref<!tpu.dma_semaphore, #tpu.memory_space<semaphore_mem>>) src(%dma_wait3A_151 : memref<256xi32, #tpu.memory_space<vmem_shared>>) dst(%dma_wait3A_150 : memref<256xi32, #tpu.memory_space<vmem>>)
      tpu.yield
    }) : () -> ()
    %add3A_98 = arith.constant 45056 : i32
    %add3A_99 = arith.addi %add3A_98, %mul3A_2 : i32
    %run_scoped3A_100 = arith.constant 11 : i32
    "tpu.region"() ({
      %run_scoped3A_137 = tpu.sem_alloc : memref<!tpu.dma_semaphore, #tpu.memory_space<semaphore_mem>>
      %dma_start3A = arith.constant 0 : i32
      %dma_start3A_138 = tpu.memref_slice %arg13[%run_scoped3A_100, %dma_start3A] : memref<20x256xi32, #tpu.memory_space<vmem>> -> memref<1x256xi32, #tpu.memory_space<vmem>>
      %dma_start3A_139 = tpu.memref_squeeze %dma_start3A_138 : memref<1x256xi32, #tpu.memory_space<vmem>> -> memref<256xi32, #tpu.memory_space<vmem>>
      %dma_start3A_140 = tpu.memref_slice %arg17[%add3A_99] : memref<81920xi32, #tpu.memory_space<vmem_shared>> -> memref<256xi32, #tpu.memory_space<vmem_shared>>
      %dma_start3A_141 = arith.constant 0 : i32
      %dma_start3A_142 = tpu.memref_slice %arg13[%run_scoped3A_100, %dma_start3A_141] : memref<20x256xi32, #tpu.memory_space<vmem>> -> memref<1x256xi32, #tpu.memory_space<vmem>>
      %dma_start3A_143 = tpu.memref_squeeze %dma_start3A_142 : memref<1x256xi32, #tpu.memory_space<vmem>> -> memref<256xi32, #tpu.memory_space<vmem>>
      %dma_start3A_144 = tpu.memref_slice %arg17[%add3A_99] : memref<81920xi32, #tpu.memory_space<vmem_shared>> -> memref<256xi32, #tpu.memory_space<vmem_shared>>
      tpu.enqueue_dma source(%dma_start3A_144 : memref<256xi32, #tpu.memory_space<vmem_shared>>) target(%dma_start3A_143 : memref<256xi32, #tpu.memory_space<vmem>>) target_semaphore(%run_scoped3A_137 : memref<!tpu.dma_semaphore, #tpu.memory_space<semaphore_mem>>)
      %dma_wait3A = arith.constant 0 : i32
      %dma_wait3A_145 = tpu.memref_slice %arg13[%run_scoped3A_100, %dma_wait3A] : memref<20x256xi32, #tpu.memory_space<vmem>> -> memref<1x256xi32, #tpu.memory_space<vmem>>
      %dma_wait3A_146 = tpu.memref_squeeze %dma_wait3A_145 : memref<1x256xi32, #tpu.memory_space<vmem>> -> memref<256xi32, #tpu.memory_space<vmem>>
      %dma_wait3A_147 = tpu.memref_slice %arg17[%add3A_99] : memref<81920xi32, #tpu.memory_space<vmem_shared>> -> memref<256xi32, #tpu.memory_space<vmem_shared>>
      %dma_wait3A_148 = arith.constant 0 : i32
      %dma_wait3A_149 = tpu.memref_slice %arg13[%run_scoped3A_100, %dma_wait3A_148] : memref<20x256xi32, #tpu.memory_space<vmem>> -> memref<1x256xi32, #tpu.memory_space<vmem>>
      %dma_wait3A_150 = tpu.memref_squeeze %dma_wait3A_149 : memref<1x256xi32, #tpu.memory_space<vmem>> -> memref<256xi32, #tpu.memory_space<vmem>>
      %dma_wait3A_151 = tpu.memref_slice %arg17[%add3A_99] : memref<81920xi32, #tpu.memory_space<vmem_shared>> -> memref<256xi32, #tpu.memory_space<vmem_shared>>
      tpu.wait_dma2 semaphore(%run_scoped3A_137 : memref<!tpu.dma_semaphore, #tpu.memory_space<semaphore_mem>>) src(%dma_wait3A_151 : memref<256xi32, #tpu.memory_space<vmem_shared>>) dst(%dma_wait3A_150 : memref<256xi32, #tpu.memory_space<vmem>>)
      tpu.yield
    }) : () -> ()
    %add3A_101 = arith.constant 49152 : i32
    %add3A_102 = arith.addi %add3A_101, %mul3A_2 : i32
    %run_scoped3A_103 = arith.constant 12 : i32
    "tpu.region"() ({
      %run_scoped3A_137 = tpu.sem_alloc : memref<!tpu.dma_semaphore, #tpu.memory_space<semaphore_mem>>
      %dma_start3A = arith.constant 0 : i32
      %dma_start3A_138 = tpu.memref_slice %arg13[%run_scoped3A_103, %dma_start3A] : memref<20x256xi32, #tpu.memory_space<vmem>> -> memref<1x256xi32, #tpu.memory_space<vmem>>
      %dma_start3A_139 = tpu.memref_squeeze %dma_start3A_138 : memref<1x256xi32, #tpu.memory_space<vmem>> -> memref<256xi32, #tpu.memory_space<vmem>>
      %dma_start3A_140 = tpu.memref_slice %arg17[%add3A_102] : memref<81920xi32, #tpu.memory_space<vmem_shared>> -> memref<256xi32, #tpu.memory_space<vmem_shared>>
      %dma_start3A_141 = arith.constant 0 : i32
      %dma_start3A_142 = tpu.memref_slice %arg13[%run_scoped3A_103, %dma_start3A_141] : memref<20x256xi32, #tpu.memory_space<vmem>> -> memref<1x256xi32, #tpu.memory_space<vmem>>
      %dma_start3A_143 = tpu.memref_squeeze %dma_start3A_142 : memref<1x256xi32, #tpu.memory_space<vmem>> -> memref<256xi32, #tpu.memory_space<vmem>>
      %dma_start3A_144 = tpu.memref_slice %arg17[%add3A_102] : memref<81920xi32, #tpu.memory_space<vmem_shared>> -> memref<256xi32, #tpu.memory_space<vmem_shared>>
      tpu.enqueue_dma source(%dma_start3A_144 : memref<256xi32, #tpu.memory_space<vmem_shared>>) target(%dma_start3A_143 : memref<256xi32, #tpu.memory_space<vmem>>) target_semaphore(%run_scoped3A_137 : memref<!tpu.dma_semaphore, #tpu.memory_space<semaphore_mem>>)
      %dma_wait3A = arith.constant 0 : i32
      %dma_wait3A_145 = tpu.memref_slice %arg13[%run_scoped3A_103, %dma_wait3A] : memref<20x256xi32, #tpu.memory_space<vmem>> -> memref<1x256xi32, #tpu.memory_space<vmem>>
      %dma_wait3A_146 = tpu.memref_squeeze %dma_wait3A_145 : memref<1x256xi32, #tpu.memory_space<vmem>> -> memref<256xi32, #tpu.memory_space<vmem>>
      %dma_wait3A_147 = tpu.memref_slice %arg17[%add3A_102] : memref<81920xi32, #tpu.memory_space<vmem_shared>> -> memref<256xi32, #tpu.memory_space<vmem_shared>>
      %dma_wait3A_148 = arith.constant 0 : i32
      %dma_wait3A_149 = tpu.memref_slice %arg13[%run_scoped3A_103, %dma_wait3A_148] : memref<20x256xi32, #tpu.memory_space<vmem>> -> memref<1x256xi32, #tpu.memory_space<vmem>>
      %dma_wait3A_150 = tpu.memref_squeeze %dma_wait3A_149 : memref<1x256xi32, #tpu.memory_space<vmem>> -> memref<256xi32, #tpu.memory_space<vmem>>
      %dma_wait3A_151 = tpu.memref_slice %arg17[%add3A_102] : memref<81920xi32, #tpu.memory_space<vmem_shared>> -> memref<256xi32, #tpu.memory_space<vmem_shared>>
      tpu.wait_dma2 semaphore(%run_scoped3A_137 : memref<!tpu.dma_semaphore, #tpu.memory_space<semaphore_mem>>) src(%dma_wait3A_151 : memref<256xi32, #tpu.memory_space<vmem_shared>>) dst(%dma_wait3A_150 : memref<256xi32, #tpu.memory_space<vmem>>)
      tpu.yield
    }) : () -> ()
    %add3A_104 = arith.constant 53248 : i32
    %add3A_105 = arith.addi %add3A_104, %mul3A_2 : i32
    %run_scoped3A_106 = arith.constant 13 : i32
    "tpu.region"() ({
      %run_scoped3A_137 = tpu.sem_alloc : memref<!tpu.dma_semaphore, #tpu.memory_space<semaphore_mem>>
      %dma_start3A = arith.constant 0 : i32
      %dma_start3A_138 = tpu.memref_slice %arg13[%run_scoped3A_106, %dma_start3A] : memref<20x256xi32, #tpu.memory_space<vmem>> -> memref<1x256xi32, #tpu.memory_space<vmem>>
      %dma_start3A_139 = tpu.memref_squeeze %dma_start3A_138 : memref<1x256xi32, #tpu.memory_space<vmem>> -> memref<256xi32, #tpu.memory_space<vmem>>
      %dma_start3A_140 = tpu.memref_slice %arg17[%add3A_105] : memref<81920xi32, #tpu.memory_space<vmem_shared>> -> memref<256xi32, #tpu.memory_space<vmem_shared>>
      %dma_start3A_141 = arith.constant 0 : i32
      %dma_start3A_142 = tpu.memref_slice %arg13[%run_scoped3A_106, %dma_start3A_141] : memref<20x256xi32, #tpu.memory_space<vmem>> -> memref<1x256xi32, #tpu.memory_space<vmem>>
      %dma_start3A_143 = tpu.memref_squeeze %dma_start3A_142 : memref<1x256xi32, #tpu.memory_space<vmem>> -> memref<256xi32, #tpu.memory_space<vmem>>
      %dma_start3A_144 = tpu.memref_slice %arg17[%add3A_105] : memref<81920xi32, #tpu.memory_space<vmem_shared>> -> memref<256xi32, #tpu.memory_space<vmem_shared>>
      tpu.enqueue_dma source(%dma_start3A_144 : memref<256xi32, #tpu.memory_space<vmem_shared>>) target(%dma_start3A_143 : memref<256xi32, #tpu.memory_space<vmem>>) target_semaphore(%run_scoped3A_137 : memref<!tpu.dma_semaphore, #tpu.memory_space<semaphore_mem>>)
      %dma_wait3A = arith.constant 0 : i32
      %dma_wait3A_145 = tpu.memref_slice %arg13[%run_scoped3A_106, %dma_wait3A] : memref<20x256xi32, #tpu.memory_space<vmem>> -> memref<1x256xi32, #tpu.memory_space<vmem>>
      %dma_wait3A_146 = tpu.memref_squeeze %dma_wait3A_145 : memref<1x256xi32, #tpu.memory_space<vmem>> -> memref<256xi32, #tpu.memory_space<vmem>>
      %dma_wait3A_147 = tpu.memref_slice %arg17[%add3A_105] : memref<81920xi32, #tpu.memory_space<vmem_shared>> -> memref<256xi32, #tpu.memory_space<vmem_shared>>
      %dma_wait3A_148 = arith.constant 0 : i32
      %dma_wait3A_149 = tpu.memref_slice %arg13[%run_scoped3A_106, %dma_wait3A_148] : memref<20x256xi32, #tpu.memory_space<vmem>> -> memref<1x256xi32, #tpu.memory_space<vmem>>
      %dma_wait3A_150 = tpu.memref_squeeze %dma_wait3A_149 : memref<1x256xi32, #tpu.memory_space<vmem>> -> memref<256xi32, #tpu.memory_space<vmem>>
      %dma_wait3A_151 = tpu.memref_slice %arg17[%add3A_105] : memref<81920xi32, #tpu.memory_space<vmem_shared>> -> memref<256xi32, #tpu.memory_space<vmem_shared>>
      tpu.wait_dma2 semaphore(%run_scoped3A_137 : memref<!tpu.dma_semaphore, #tpu.memory_space<semaphore_mem>>) src(%dma_wait3A_151 : memref<256xi32, #tpu.memory_space<vmem_shared>>) dst(%dma_wait3A_150 : memref<256xi32, #tpu.memory_space<vmem>>)
      tpu.yield
    }) : () -> ()
    %add3A_107 = arith.constant 57344 : i32
    %add3A_108 = arith.addi %add3A_107, %mul3A_2 : i32
    %run_scoped3A_109 = arith.constant 14 : i32
    "tpu.region"() ({
      %run_scoped3A_137 = tpu.sem_alloc : memref<!tpu.dma_semaphore, #tpu.memory_space<semaphore_mem>>
      %dma_start3A = arith.constant 0 : i32
      %dma_start3A_138 = tpu.memref_slice %arg13[%run_scoped3A_109, %dma_start3A] : memref<20x256xi32, #tpu.memory_space<vmem>> -> memref<1x256xi32, #tpu.memory_space<vmem>>
      %dma_start3A_139 = tpu.memref_squeeze %dma_start3A_138 : memref<1x256xi32, #tpu.memory_space<vmem>> -> memref<256xi32, #tpu.memory_space<vmem>>
      %dma_start3A_140 = tpu.memref_slice %arg17[%add3A_108] : memref<81920xi32, #tpu.memory_space<vmem_shared>> -> memref<256xi32, #tpu.memory_space<vmem_shared>>
      %dma_start3A_141 = arith.constant 0 : i32
      %dma_start3A_142 = tpu.memref_slice %arg13[%run_scoped3A_109, %dma_start3A_141] : memref<20x256xi32, #tpu.memory_space<vmem>> -> memref<1x256xi32, #tpu.memory_space<vmem>>
      %dma_start3A_143 = tpu.memref_squeeze %dma_start3A_142 : memref<1x256xi32, #tpu.memory_space<vmem>> -> memref<256xi32, #tpu.memory_space<vmem>>
      %dma_start3A_144 = tpu.memref_slice %arg17[%add3A_108] : memref<81920xi32, #tpu.memory_space<vmem_shared>> -> memref<256xi32, #tpu.memory_space<vmem_shared>>
      tpu.enqueue_dma source(%dma_start3A_144 : memref<256xi32, #tpu.memory_space<vmem_shared>>) target(%dma_start3A_143 : memref<256xi32, #tpu.memory_space<vmem>>) target_semaphore(%run_scoped3A_137 : memref<!tpu.dma_semaphore, #tpu.memory_space<semaphore_mem>>)
      %dma_wait3A = arith.constant 0 : i32
      %dma_wait3A_145 = tpu.memref_slice %arg13[%run_scoped3A_109, %dma_wait3A] : memref<20x256xi32, #tpu.memory_space<vmem>> -> memref<1x256xi32, #tpu.memory_space<vmem>>
      %dma_wait3A_146 = tpu.memref_squeeze %dma_wait3A_145 : memref<1x256xi32, #tpu.memory_space<vmem>> -> memref<256xi32, #tpu.memory_space<vmem>>
      %dma_wait3A_147 = tpu.memref_slice %arg17[%add3A_108] : memref<81920xi32, #tpu.memory_space<vmem_shared>> -> memref<256xi32, #tpu.memory_space<vmem_shared>>
      %dma_wait3A_148 = arith.constant 0 : i32
      %dma_wait3A_149 = tpu.memref_slice %arg13[%run_scoped3A_109, %dma_wait3A_148] : memref<20x256xi32, #tpu.memory_space<vmem>> -> memref<1x256xi32, #tpu.memory_space<vmem>>
      %dma_wait3A_150 = tpu.memref_squeeze %dma_wait3A_149 : memref<1x256xi32, #tpu.memory_space<vmem>> -> memref<256xi32, #tpu.memory_space<vmem>>
      %dma_wait3A_151 = tpu.memref_slice %arg17[%add3A_108] : memref<81920xi32, #tpu.memory_space<vmem_shared>> -> memref<256xi32, #tpu.memory_space<vmem_shared>>
      tpu.wait_dma2 semaphore(%run_scoped3A_137 : memref<!tpu.dma_semaphore, #tpu.memory_space<semaphore_mem>>) src(%dma_wait3A_151 : memref<256xi32, #tpu.memory_space<vmem_shared>>) dst(%dma_wait3A_150 : memref<256xi32, #tpu.memory_space<vmem>>)
      tpu.yield
    }) : () -> ()
    %add3A_110 = arith.constant 61440 : i32
    %add3A_111 = arith.addi %add3A_110, %mul3A_2 : i32
    %run_scoped3A_112 = arith.constant 15 : i32
    "tpu.region"() ({
      %run_scoped3A_137 = tpu.sem_alloc : memref<!tpu.dma_semaphore, #tpu.memory_space<semaphore_mem>>
      %dma_start3A = arith.constant 0 : i32
      %dma_start3A_138 = tpu.memref_slice %arg13[%run_scoped3A_112, %dma_start3A] : memref<20x256xi32, #tpu.memory_space<vmem>> -> memref<1x256xi32, #tpu.memory_space<vmem>>
      %dma_start3A_139 = tpu.memref_squeeze %dma_start3A_138 : memref<1x256xi32, #tpu.memory_space<vmem>> -> memref<256xi32, #tpu.memory_space<vmem>>
      %dma_start3A_140 = tpu.memref_slice %arg17[%add3A_111] : memref<81920xi32, #tpu.memory_space<vmem_shared>> -> memref<256xi32, #tpu.memory_space<vmem_shared>>
      %dma_start3A_141 = arith.constant 0 : i32
      %dma_start3A_142 = tpu.memref_slice %arg13[%run_scoped3A_112, %dma_start3A_141] : memref<20x256xi32, #tpu.memory_space<vmem>> -> memref<1x256xi32, #tpu.memory_space<vmem>>
      %dma_start3A_143 = tpu.memref_squeeze %dma_start3A_142 : memref<1x256xi32, #tpu.memory_space<vmem>> -> memref<256xi32, #tpu.memory_space<vmem>>
      %dma_start3A_144 = tpu.memref_slice %arg17[%add3A_111] : memref<81920xi32, #tpu.memory_space<vmem_shared>> -> memref<256xi32, #tpu.memory_space<vmem_shared>>
      tpu.enqueue_dma source(%dma_start3A_144 : memref<256xi32, #tpu.memory_space<vmem_shared>>) target(%dma_start3A_143 : memref<256xi32, #tpu.memory_space<vmem>>) target_semaphore(%run_scoped3A_137 : memref<!tpu.dma_semaphore, #tpu.memory_space<semaphore_mem>>)
      %dma_wait3A = arith.constant 0 : i32
      %dma_wait3A_145 = tpu.memref_slice %arg13[%run_scoped3A_112, %dma_wait3A] : memref<20x256xi32, #tpu.memory_space<vmem>> -> memref<1x256xi32, #tpu.memory_space<vmem>>
      %dma_wait3A_146 = tpu.memref_squeeze %dma_wait3A_145 : memref<1x256xi32, #tpu.memory_space<vmem>> -> memref<256xi32, #tpu.memory_space<vmem>>
      %dma_wait3A_147 = tpu.memref_slice %arg17[%add3A_111] : memref<81920xi32, #tpu.memory_space<vmem_shared>> -> memref<256xi32, #tpu.memory_space<vmem_shared>>
      %dma_wait3A_148 = arith.constant 0 : i32
      %dma_wait3A_149 = tpu.memref_slice %arg13[%run_scoped3A_112, %dma_wait3A_148] : memref<20x256xi32, #tpu.memory_space<vmem>> -> memref<1x256xi32, #tpu.memory_space<vmem>>
      %dma_wait3A_150 = tpu.memref_squeeze %dma_wait3A_149 : memref<1x256xi32, #tpu.memory_space<vmem>> -> memref<256xi32, #tpu.memory_space<vmem>>
      %dma_wait3A_151 = tpu.memref_slice %arg17[%add3A_111] : memref<81920xi32, #tpu.memory_space<vmem_shared>> -> memref<256xi32, #tpu.memory_space<vmem_shared>>
      tpu.wait_dma2 semaphore(%run_scoped3A_137 : memref<!tpu.dma_semaphore, #tpu.memory_space<semaphore_mem>>) src(%dma_wait3A_151 : memref<256xi32, #tpu.memory_space<vmem_shared>>) dst(%dma_wait3A_150 : memref<256xi32, #tpu.memory_space<vmem>>)
      tpu.yield
    }) : () -> ()
    %add3A_113 = arith.constant 65536 : i32
    %add3A_114 = arith.addi %add3A_113, %mul3A_2 : i32
    %run_scoped3A_115 = arith.constant 16 : i32
    "tpu.region"() ({
      %run_scoped3A_137 = tpu.sem_alloc : memref<!tpu.dma_semaphore, #tpu.memory_space<semaphore_mem>>
      %dma_start3A = arith.constant 0 : i32
      %dma_start3A_138 = tpu.memref_slice %arg13[%run_scoped3A_115, %dma_start3A] : memref<20x256xi32, #tpu.memory_space<vmem>> -> memref<1x256xi32, #tpu.memory_space<vmem>>
      %dma_start3A_139 = tpu.memref_squeeze %dma_start3A_138 : memref<1x256xi32, #tpu.memory_space<vmem>> -> memref<256xi32, #tpu.memory_space<vmem>>
      %dma_start3A_140 = tpu.memref_slice %arg17[%add3A_114] : memref<81920xi32, #tpu.memory_space<vmem_shared>> -> memref<256xi32, #tpu.memory_space<vmem_shared>>
      %dma_start3A_141 = arith.constant 0 : i32
      %dma_start3A_142 = tpu.memref_slice %arg13[%run_scoped3A_115, %dma_start3A_141] : memref<20x256xi32, #tpu.memory_space<vmem>> -> memref<1x256xi32, #tpu.memory_space<vmem>>
      %dma_start3A_143 = tpu.memref_squeeze %dma_start3A_142 : memref<1x256xi32, #tpu.memory_space<vmem>> -> memref<256xi32, #tpu.memory_space<vmem>>
      %dma_start3A_144 = tpu.memref_slice %arg17[%add3A_114] : memref<81920xi32, #tpu.memory_space<vmem_shared>> -> memref<256xi32, #tpu.memory_space<vmem_shared>>
      tpu.enqueue_dma source(%dma_start3A_144 : memref<256xi32, #tpu.memory_space<vmem_shared>>) target(%dma_start3A_143 : memref<256xi32, #tpu.memory_space<vmem>>) target_semaphore(%run_scoped3A_137 : memref<!tpu.dma_semaphore, #tpu.memory_space<semaphore_mem>>)
      %dma_wait3A = arith.constant 0 : i32
      %dma_wait3A_145 = tpu.memref_slice %arg13[%run_scoped3A_115, %dma_wait3A] : memref<20x256xi32, #tpu.memory_space<vmem>> -> memref<1x256xi32, #tpu.memory_space<vmem>>
      %dma_wait3A_146 = tpu.memref_squeeze %dma_wait3A_145 : memref<1x256xi32, #tpu.memory_space<vmem>> -> memref<256xi32, #tpu.memory_space<vmem>>
      %dma_wait3A_147 = tpu.memref_slice %arg17[%add3A_114] : memref<81920xi32, #tpu.memory_space<vmem_shared>> -> memref<256xi32, #tpu.memory_space<vmem_shared>>
      %dma_wait3A_148 = arith.constant 0 : i32
      %dma_wait3A_149 = tpu.memref_slice %arg13[%run_scoped3A_115, %dma_wait3A_148] : memref<20x256xi32, #tpu.memory_space<vmem>> -> memref<1x256xi32, #tpu.memory_space<vmem>>
      %dma_wait3A_150 = tpu.memref_squeeze %dma_wait3A_149 : memref<1x256xi32, #tpu.memory_space<vmem>> -> memref<256xi32, #tpu.memory_space<vmem>>
      %dma_wait3A_151 = tpu.memref_slice %arg17[%add3A_114] : memref<81920xi32, #tpu.memory_space<vmem_shared>> -> memref<256xi32, #tpu.memory_space<vmem_shared>>
      tpu.wait_dma2 semaphore(%run_scoped3A_137 : memref<!tpu.dma_semaphore, #tpu.memory_space<semaphore_mem>>) src(%dma_wait3A_151 : memref<256xi32, #tpu.memory_space<vmem_shared>>) dst(%dma_wait3A_150 : memref<256xi32, #tpu.memory_space<vmem>>)
      tpu.yield
    }) : () -> ()
    %add3A_116 = arith.constant 69632 : i32
    %add3A_117 = arith.addi %add3A_116, %mul3A_2 : i32
    %run_scoped3A_118 = arith.constant 17 : i32
    "tpu.region"() ({
      %run_scoped3A_137 = tpu.sem_alloc : memref<!tpu.dma_semaphore, #tpu.memory_space<semaphore_mem>>
      %dma_start3A = arith.constant 0 : i32
      %dma_start3A_138 = tpu.memref_slice %arg13[%run_scoped3A_118, %dma_start3A] : memref<20x256xi32, #tpu.memory_space<vmem>> -> memref<1x256xi32, #tpu.memory_space<vmem>>
      %dma_start3A_139 = tpu.memref_squeeze %dma_start3A_138 : memref<1x256xi32, #tpu.memory_space<vmem>> -> memref<256xi32, #tpu.memory_space<vmem>>
      %dma_start3A_140 = tpu.memref_slice %arg17[%add3A_117] : memref<81920xi32, #tpu.memory_space<vmem_shared>> -> memref<256xi32, #tpu.memory_space<vmem_shared>>
      %dma_start3A_141 = arith.constant 0 : i32
      %dma_start3A_142 = tpu.memref_slice %arg13[%run_scoped3A_118, %dma_start3A_141] : memref<20x256xi32, #tpu.memory_space<vmem>> -> memref<1x256xi32, #tpu.memory_space<vmem>>
      %dma_start3A_143 = tpu.memref_squeeze %dma_start3A_142 : memref<1x256xi32, #tpu.memory_space<vmem>> -> memref<256xi32, #tpu.memory_space<vmem>>
      %dma_start3A_144 = tpu.memref_slice %arg17[%add3A_117] : memref<81920xi32, #tpu.memory_space<vmem_shared>> -> memref<256xi32, #tpu.memory_space<vmem_shared>>
      tpu.enqueue_dma source(%dma_start3A_144 : memref<256xi32, #tpu.memory_space<vmem_shared>>) target(%dma_start3A_143 : memref<256xi32, #tpu.memory_space<vmem>>) target_semaphore(%run_scoped3A_137 : memref<!tpu.dma_semaphore, #tpu.memory_space<semaphore_mem>>)
      %dma_wait3A = arith.constant 0 : i32
      %dma_wait3A_145 = tpu.memref_slice %arg13[%run_scoped3A_118, %dma_wait3A] : memref<20x256xi32, #tpu.memory_space<vmem>> -> memref<1x256xi32, #tpu.memory_space<vmem>>
      %dma_wait3A_146 = tpu.memref_squeeze %dma_wait3A_145 : memref<1x256xi32, #tpu.memory_space<vmem>> -> memref<256xi32, #tpu.memory_space<vmem>>
      %dma_wait3A_147 = tpu.memref_slice %arg17[%add3A_117] : memref<81920xi32, #tpu.memory_space<vmem_shared>> -> memref<256xi32, #tpu.memory_space<vmem_shared>>
      %dma_wait3A_148 = arith.constant 0 : i32
      %dma_wait3A_149 = tpu.memref_slice %arg13[%run_scoped3A_118, %dma_wait3A_148] : memref<20x256xi32, #tpu.memory_space<vmem>> -> memref<1x256xi32, #tpu.memory_space<vmem>>
      %dma_wait3A_150 = tpu.memref_squeeze %dma_wait3A_149 : memref<1x256xi32, #tpu.memory_space<vmem>> -> memref<256xi32, #tpu.memory_space<vmem>>
      %dma_wait3A_151 = tpu.memref_slice %arg17[%add3A_117] : memref<81920xi32, #tpu.memory_space<vmem_shared>> -> memref<256xi32, #tpu.memory_space<vmem_shared>>
      tpu.wait_dma2 semaphore(%run_scoped3A_137 : memref<!tpu.dma_semaphore, #tpu.memory_space<semaphore_mem>>) src(%dma_wait3A_151 : memref<256xi32, #tpu.memory_space<vmem_shared>>) dst(%dma_wait3A_150 : memref<256xi32, #tpu.memory_space<vmem>>)
      tpu.yield
    }) : () -> ()
    %add3A_119 = arith.constant 73728 : i32
    %add3A_120 = arith.addi %add3A_119, %mul3A_2 : i32
    %run_scoped3A_121 = arith.constant 18 : i32
    "tpu.region"() ({
      %run_scoped3A_137 = tpu.sem_alloc : memref<!tpu.dma_semaphore, #tpu.memory_space<semaphore_mem>>
      %dma_start3A = arith.constant 0 : i32
      %dma_start3A_138 = tpu.memref_slice %arg13[%run_scoped3A_121, %dma_start3A] : memref<20x256xi32, #tpu.memory_space<vmem>> -> memref<1x256xi32, #tpu.memory_space<vmem>>
      %dma_start3A_139 = tpu.memref_squeeze %dma_start3A_138 : memref<1x256xi32, #tpu.memory_space<vmem>> -> memref<256xi32, #tpu.memory_space<vmem>>
      %dma_start3A_140 = tpu.memref_slice %arg17[%add3A_120] : memref<81920xi32, #tpu.memory_space<vmem_shared>> -> memref<256xi32, #tpu.memory_space<vmem_shared>>
      %dma_start3A_141 = arith.constant 0 : i32
      %dma_start3A_142 = tpu.memref_slice %arg13[%run_scoped3A_121, %dma_start3A_141] : memref<20x256xi32, #tpu.memory_space<vmem>> -> memref<1x256xi32, #tpu.memory_space<vmem>>
      %dma_start3A_143 = tpu.memref_squeeze %dma_start3A_142 : memref<1x256xi32, #tpu.memory_space<vmem>> -> memref<256xi32, #tpu.memory_space<vmem>>
      %dma_start3A_144 = tpu.memref_slice %arg17[%add3A_120] : memref<81920xi32, #tpu.memory_space<vmem_shared>> -> memref<256xi32, #tpu.memory_space<vmem_shared>>
      tpu.enqueue_dma source(%dma_start3A_144 : memref<256xi32, #tpu.memory_space<vmem_shared>>) target(%dma_start3A_143 : memref<256xi32, #tpu.memory_space<vmem>>) target_semaphore(%run_scoped3A_137 : memref<!tpu.dma_semaphore, #tpu.memory_space<semaphore_mem>>)
      %dma_wait3A = arith.constant 0 : i32
      %dma_wait3A_145 = tpu.memref_slice %arg13[%run_scoped3A_121, %dma_wait3A] : memref<20x256xi32, #tpu.memory_space<vmem>> -> memref<1x256xi32, #tpu.memory_space<vmem>>
      %dma_wait3A_146 = tpu.memref_squeeze %dma_wait3A_145 : memref<1x256xi32, #tpu.memory_space<vmem>> -> memref<256xi32, #tpu.memory_space<vmem>>
      %dma_wait3A_147 = tpu.memref_slice %arg17[%add3A_120] : memref<81920xi32, #tpu.memory_space<vmem_shared>> -> memref<256xi32, #tpu.memory_space<vmem_shared>>
      %dma_wait3A_148 = arith.constant 0 : i32
      %dma_wait3A_149 = tpu.memref_slice %arg13[%run_scoped3A_121, %dma_wait3A_148] : memref<20x256xi32, #tpu.memory_space<vmem>> -> memref<1x256xi32, #tpu.memory_space<vmem>>
      %dma_wait3A_150 = tpu.memref_squeeze %dma_wait3A_149 : memref<1x256xi32, #tpu.memory_space<vmem>> -> memref<256xi32, #tpu.memory_space<vmem>>
      %dma_wait3A_151 = tpu.memref_slice %arg17[%add3A_120] : memref<81920xi32, #tpu.memory_space<vmem_shared>> -> memref<256xi32, #tpu.memory_space<vmem_shared>>
      tpu.wait_dma2 semaphore(%run_scoped3A_137 : memref<!tpu.dma_semaphore, #tpu.memory_space<semaphore_mem>>) src(%dma_wait3A_151 : memref<256xi32, #tpu.memory_space<vmem_shared>>) dst(%dma_wait3A_150 : memref<256xi32, #tpu.memory_space<vmem>>)
      tpu.yield
    }) : () -> ()
    %add3A_122 = arith.constant 77824 : i32
    %add3A_123 = arith.addi %add3A_122, %mul3A_2 : i32
    %run_scoped3A_124 = arith.constant 19 : i32
    "tpu.region"() ({
      %run_scoped3A_137 = tpu.sem_alloc : memref<!tpu.dma_semaphore, #tpu.memory_space<semaphore_mem>>
      %dma_start3A = arith.constant 0 : i32
      %dma_start3A_138 = tpu.memref_slice %arg13[%run_scoped3A_124, %dma_start3A] : memref<20x256xi32, #tpu.memory_space<vmem>> -> memref<1x256xi32, #tpu.memory_space<vmem>>
      %dma_start3A_139 = tpu.memref_squeeze %dma_start3A_138 : memref<1x256xi32, #tpu.memory_space<vmem>> -> memref<256xi32, #tpu.memory_space<vmem>>
      %dma_start3A_140 = tpu.memref_slice %arg17[%add3A_123] : memref<81920xi32, #tpu.memory_space<vmem_shared>> -> memref<256xi32, #tpu.memory_space<vmem_shared>>
      %dma_start3A_141 = arith.constant 0 : i32
      %dma_start3A_142 = tpu.memref_slice %arg13[%run_scoped3A_124, %dma_start3A_141] : memref<20x256xi32, #tpu.memory_space<vmem>> -> memref<1x256xi32, #tpu.memory_space<vmem>>
      %dma_start3A_143 = tpu.memref_squeeze %dma_start3A_142 : memref<1x256xi32, #tpu.memory_space<vmem>> -> memref<256xi32, #tpu.memory_space<vmem>>
      %dma_start3A_144 = tpu.memref_slice %arg17[%add3A_123] : memref<81920xi32, #tpu.memory_space<vmem_shared>> -> memref<256xi32, #tpu.memory_space<vmem_shared>>
      tpu.enqueue_dma source(%dma_start3A_144 : memref<256xi32, #tpu.memory_space<vmem_shared>>) target(%dma_start3A_143 : memref<256xi32, #tpu.memory_space<vmem>>) target_semaphore(%run_scoped3A_137 : memref<!tpu.dma_semaphore, #tpu.memory_space<semaphore_mem>>)
      %dma_wait3A = arith.constant 0 : i32
      %dma_wait3A_145 = tpu.memref_slice %arg13[%run_scoped3A_124, %dma_wait3A] : memref<20x256xi32, #tpu.memory_space<vmem>> -> memref<1x256xi32, #tpu.memory_space<vmem>>
      %dma_wait3A_146 = tpu.memref_squeeze %dma_wait3A_145 : memref<1x256xi32, #tpu.memory_space<vmem>> -> memref<256xi32, #tpu.memory_space<vmem>>
      %dma_wait3A_147 = tpu.memref_slice %arg17[%add3A_123] : memref<81920xi32, #tpu.memory_space<vmem_shared>> -> memref<256xi32, #tpu.memory_space<vmem_shared>>
      %dma_wait3A_148 = arith.constant 0 : i32
      %dma_wait3A_149 = tpu.memref_slice %arg13[%run_scoped3A_124, %dma_wait3A_148] : memref<20x256xi32, #tpu.memory_space<vmem>> -> memref<1x256xi32, #tpu.memory_space<vmem>>
      %dma_wait3A_150 = tpu.memref_squeeze %dma_wait3A_149 : memref<1x256xi32, #tpu.memory_space<vmem>> -> memref<256xi32, #tpu.memory_space<vmem>>
      %dma_wait3A_151 = tpu.memref_slice %arg17[%add3A_123] : memref<81920xi32, #tpu.memory_space<vmem_shared>> -> memref<256xi32, #tpu.memory_space<vmem_shared>>
      tpu.wait_dma2 semaphore(%run_scoped3A_137 : memref<!tpu.dma_semaphore, #tpu.memory_space<semaphore_mem>>) src(%dma_wait3A_151 : memref<256xi32, #tpu.memory_space<vmem_shared>>) dst(%dma_wait3A_150 : memref<256xi32, #tpu.memory_space<vmem>>)
      tpu.yield
    }) : () -> ()
    %scan3A_125 = arith.constant 0 : i32
    %scan3A_126 = arith.constant 16 : i32
    %scan3A_127 = arith.addi %scan3A_125, %scan3A_126 : i32
    %scan3A_128 = arith.constant 1 : i32
    scf.for %scan3A_137 = %scan3A_125 to %scan3A_127 step %scan3A_128  : i32 {
      %mul3A_138 = arith.constant 16 : i32
      %mul3A_139 = arith.muli %scan3A_137, %mul3A_138 : i32
      %get3A = arith.constant 0 : i32
      %get3A_140 = arith.index_cast %get3A : i32 to index
      %get3A_141 = arith.index_cast %mul3A_139 : i32 to index
      %get3A_142 = tpu.vector_load %arg13[%get3A_140, %get3A_141] {strides = array<i32>} : memref<20x256xi32, #tpu.memory_space<vmem>>, vector<1x16xi32>,
      %get3A_143 = vector.shape_cast %get3A_142 : vector<1x16xi32> to vector<16xi32>
      %broadcast_in_dim3A_144 = arith.constant 0 : i32
      %broadcast_in_dim3A_145 = vector.broadcast %broadcast_in_dim3A_144 : i32 to vector<16xi32>
      %get3A_146 = arith.constant 1 : i32
      %get3A_147 = arith.index_cast %get3A_146 : i32 to index
      %get3A_148 = arith.index_cast %mul3A_139 : i32 to index
      %get3A_149 = tpu.vector_load %arg13[%get3A_147, %get3A_148] {strides = array<i32>} : memref<20x256xi32, #tpu.memory_space<vmem>>, vector<1x16xi32>,
      %get3A_150 = vector.shape_cast %get3A_149 : vector<1x16xi32> to vector<16xi32>
      %gt3A = arith.cmpi sgt, %get3A_150, %get3A_143 : vector<16xi32>
      %select_n3A = arith.select %gt3A, %get3A_150, %get3A_143 : vector<16xi1>, vector<16xi32>
      %jit3A = arith.constant 1 : i32
      %broadcast_in_dim3A_151 = vector.broadcast %jit3A : i32 to vector<16xi32>
      %select_n3A_152 = arith.select %gt3A, %broadcast_in_dim3A_151, %broadcast_in_dim3A_145 : vector<16xi1>, vector<16xi32>
      %get3A_153 = arith.constant 2 : i32
      %get3A_154 = arith.index_cast %get3A_153 : i32 to index
      %get3A_155 = arith.index_cast %mul3A_139 : i32 to index
      %get3A_156 = tpu.vector_load %arg13[%get3A_154, %get3A_155] {strides = array<i32>} : memref<20x256xi32, #tpu.memory_space<vmem>>, vector<1x16xi32>,
      %get3A_157 = vector.shape_cast %get3A_156 : vector<1x16xi32> to vector<16xi32>
      %gt3A_158 = arith.cmpi sgt, %get3A_157, %select_n3A : vector<16xi32>
      %select_n3A_159 = arith.select %gt3A_158, %get3A_157, %select_n3A : vector<16xi1>, vector<16xi32>
      %jit3A_160 = arith.constant 2 : i32
      %broadcast_in_dim3A_161 = vector.broadcast %jit3A_160 : i32 to vector<16xi32>
      %select_n3A_162 = arith.select %gt3A_158, %broadcast_in_dim3A_161, %select_n3A_152 : vector<16xi1>, vector<16xi32>
      %get3A_163 = arith.constant 3 : i32
      %get3A_164 = arith.index_cast %get3A_163 : i32 to index
      %get3A_165 = arith.index_cast %mul3A_139 : i32 to index
      %get3A_166 = tpu.vector_load %arg13[%get3A_164, %get3A_165] {strides = array<i32>} : memref<20x256xi32, #tpu.memory_space<vmem>>, vector<1x16xi32>,
      %get3A_167 = vector.shape_cast %get3A_166 : vector<1x16xi32> to vector<16xi32>
      %gt3A_168 = arith.cmpi sgt, %get3A_167, %select_n3A_159 : vector<16xi32>
      %select_n3A_169 = arith.select %gt3A_168, %get3A_167, %select_n3A_159 : vector<16xi1>, vector<16xi32>
      %jit3A_170 = arith.constant 3 : i32
      %broadcast_in_dim3A_171 = vector.broadcast %jit3A_170 : i32 to vector<16xi32>
      %select_n3A_172 = arith.select %gt3A_168, %broadcast_in_dim3A_171, %select_n3A_162 : vector<16xi1>, vector<16xi32>
      %get3A_173 = arith.constant 4 : i32
      %get3A_174 = arith.index_cast %get3A_173 : i32 to index
      %get3A_175 = arith.index_cast %mul3A_139 : i32 to index
      %get3A_176 = tpu.vector_load %arg13[%get3A_174, %get3A_175] {strides = array<i32>} : memref<20x256xi32, #tpu.memory_space<vmem>>, vector<1x16xi32>,
      %get3A_177 = vector.shape_cast %get3A_176 : vector<1x16xi32> to vector<16xi32>
      %gt3A_178 = arith.cmpi sgt, %get3A_177, %select_n3A_169 : vector<16xi32>
      %select_n3A_179 = arith.select %gt3A_178, %get3A_177, %select_n3A_169 : vector<16xi1>, vector<16xi32>
      %jit3A_180 = arith.constant 4 : i32
      %broadcast_in_dim3A_181 = vector.broadcast %jit3A_180 : i32 to vector<16xi32>
      %select_n3A_182 = arith.select %gt3A_178, %broadcast_in_dim3A_181, %select_n3A_172 : vector<16xi1>, vector<16xi32>
      %get3A_183 = arith.constant 5 : i32
      %get3A_184 = arith.index_cast %get3A_183 : i32 to index
      %get3A_185 = arith.index_cast %mul3A_139 : i32 to index
      %get3A_186 = tpu.vector_load %arg13[%get3A_184, %get3A_185] {strides = array<i32>} : memref<20x256xi32, #tpu.memory_space<vmem>>, vector<1x16xi32>,
      %get3A_187 = vector.shape_cast %get3A_186 : vector<1x16xi32> to vector<16xi32>
      %gt3A_188 = arith.cmpi sgt, %get3A_187, %select_n3A_179 : vector<16xi32>
      %select_n3A_189 = arith.select %gt3A_188, %get3A_187, %select_n3A_179 : vector<16xi1>, vector<16xi32>
      %jit3A_190 = arith.constant 5 : i32
      %broadcast_in_dim3A_191 = vector.broadcast %jit3A_190 : i32 to vector<16xi32>
      %select_n3A_192 = arith.select %gt3A_188, %broadcast_in_dim3A_191, %select_n3A_182 : vector<16xi1>, vector<16xi32>
      %get3A_193 = arith.constant 6 : i32
      %get3A_194 = arith.index_cast %get3A_193 : i32 to index
      %get3A_195 = arith.index_cast %mul3A_139 : i32 to index
      %get3A_196 = tpu.vector_load %arg13[%get3A_194, %get3A_195] {strides = array<i32>} : memref<20x256xi32, #tpu.memory_space<vmem>>, vector<1x16xi32>,
      %get3A_197 = vector.shape_cast %get3A_196 : vector<1x16xi32> to vector<16xi32>
      %gt3A_198 = arith.cmpi sgt, %get3A_197, %select_n3A_189 : vector<16xi32>
      %select_n3A_199 = arith.select %gt3A_198, %get3A_197, %select_n3A_189 : vector<16xi1>, vector<16xi32>
      %jit3A_200 = arith.constant 6 : i32
      %broadcast_in_dim3A_201 = vector.broadcast %jit3A_200 : i32 to vector<16xi32>
      %select_n3A_202 = arith.select %gt3A_198, %broadcast_in_dim3A_201, %select_n3A_192 : vector<16xi1>, vector<16xi32>
      %get3A_203 = arith.constant 7 : i32
      %get3A_204 = arith.index_cast %get3A_203 : i32 to index
      %get3A_205 = arith.index_cast %mul3A_139 : i32 to index
      %get3A_206 = tpu.vector_load %arg13[%get3A_204, %get3A_205] {strides = array<i32>} : memref<20x256xi32, #tpu.memory_space<vmem>>, vector<1x16xi32>,
      %get3A_207 = vector.shape_cast %get3A_206 : vector<1x16xi32> to vector<16xi32>
      %gt3A_208 = arith.cmpi sgt, %get3A_207, %select_n3A_199 : vector<16xi32>
      %select_n3A_209 = arith.select %gt3A_208, %get3A_207, %select_n3A_199 : vector<16xi1>, vector<16xi32>
      %jit3A_210 = arith.constant 7 : i32
      %broadcast_in_dim3A_211 = vector.broadcast %jit3A_210 : i32 to vector<16xi32>
      %select_n3A_212 = arith.select %gt3A_208, %broadcast_in_dim3A_211, %select_n3A_202 : vector<16xi1>, vector<16xi32>
      %get3A_213 = arith.constant 8 : i32
      %get3A_214 = arith.index_cast %get3A_213 : i32 to index
      %get3A_215 = arith.index_cast %mul3A_139 : i32 to index
      %get3A_216 = tpu.vector_load %arg13[%get3A_214, %get3A_215] {strides = array<i32>} : memref<20x256xi32, #tpu.memory_space<vmem>>, vector<1x16xi32>,
      %get3A_217 = vector.shape_cast %get3A_216 : vector<1x16xi32> to vector<16xi32>
      %gt3A_218 = arith.cmpi sgt, %get3A_217, %select_n3A_209 : vector<16xi32>
      %select_n3A_219 = arith.select %gt3A_218, %get3A_217, %select_n3A_209 : vector<16xi1>, vector<16xi32>
      %jit3A_220 = arith.constant 8 : i32
      %broadcast_in_dim3A_221 = vector.broadcast %jit3A_220 : i32 to vector<16xi32>
      %select_n3A_222 = arith.select %gt3A_218, %broadcast_in_dim3A_221, %select_n3A_212 : vector<16xi1>, vector<16xi32>
      %get3A_223 = arith.constant 9 : i32
      %get3A_224 = arith.index_cast %get3A_223 : i32 to index
      %get3A_225 = arith.index_cast %mul3A_139 : i32 to index
      %get3A_226 = tpu.vector_load %arg13[%get3A_224, %get3A_225] {strides = array<i32>} : memref<20x256xi32, #tpu.memory_space<vmem>>, vector<1x16xi32>,
      %get3A_227 = vector.shape_cast %get3A_226 : vector<1x16xi32> to vector<16xi32>
      %gt3A_228 = arith.cmpi sgt, %get3A_227, %select_n3A_219 : vector<16xi32>
      %select_n3A_229 = arith.select %gt3A_228, %get3A_227, %select_n3A_219 : vector<16xi1>, vector<16xi32>
      %jit3A_230 = arith.constant 9 : i32
      %broadcast_in_dim3A_231 = vector.broadcast %jit3A_230 : i32 to vector<16xi32>
      %select_n3A_232 = arith.select %gt3A_228, %broadcast_in_dim3A_231, %select_n3A_222 : vector<16xi1>, vector<16xi32>
      %get3A_233 = arith.constant 10 : i32
      %get3A_234 = arith.index_cast %get3A_233 : i32 to index
      %get3A_235 = arith.index_cast %mul3A_139 : i32 to index
      %get3A_236 = tpu.vector_load %arg13[%get3A_234, %get3A_235] {strides = array<i32>} : memref<20x256xi32, #tpu.memory_space<vmem>>, vector<1x16xi32>,
      %get3A_237 = vector.shape_cast %get3A_236 : vector<1x16xi32> to vector<16xi32>
      %gt3A_238 = arith.cmpi sgt, %get3A_237, %select_n3A_229 : vector<16xi32>
      %select_n3A_239 = arith.select %gt3A_238, %get3A_237, %select_n3A_229 : vector<16xi1>, vector<16xi32>
      %jit3A_240 = arith.constant 10 : i32
      %broadcast_in_dim3A_241 = vector.broadcast %jit3A_240 : i32 to vector<16xi32>
      %select_n3A_242 = arith.select %gt3A_238, %broadcast_in_dim3A_241, %select_n3A_232 : vector<16xi1>, vector<16xi32>
      %get3A_243 = arith.constant 11 : i32
      %get3A_244 = arith.index_cast %get3A_243 : i32 to index
      %get3A_245 = arith.index_cast %mul3A_139 : i32 to index
      %get3A_246 = tpu.vector_load %arg13[%get3A_244, %get3A_245] {strides = array<i32>} : memref<20x256xi32, #tpu.memory_space<vmem>>, vector<1x16xi32>,
      %get3A_247 = vector.shape_cast %get3A_246 : vector<1x16xi32> to vector<16xi32>
      %gt3A_248 = arith.cmpi sgt, %get3A_247, %select_n3A_239 : vector<16xi32>
      %select_n3A_249 = arith.select %gt3A_248, %get3A_247, %select_n3A_239 : vector<16xi1>, vector<16xi32>
      %jit3A_250 = arith.constant 11 : i32
      %broadcast_in_dim3A_251 = vector.broadcast %jit3A_250 : i32 to vector<16xi32>
      %select_n3A_252 = arith.select %gt3A_248, %broadcast_in_dim3A_251, %select_n3A_242 : vector<16xi1>, vector<16xi32>
      %get3A_253 = arith.constant 12 : i32
      %get3A_254 = arith.index_cast %get3A_253 : i32 to index
      %get3A_255 = arith.index_cast %mul3A_139 : i32 to index
      %get3A_256 = tpu.vector_load %arg13[%get3A_254, %get3A_255] {strides = array<i32>} : memref<20x256xi32, #tpu.memory_space<vmem>>, vector<1x16xi32>,
      %get3A_257 = vector.shape_cast %get3A_256 : vector<1x16xi32> to vector<16xi32>
      %gt3A_258 = arith.cmpi sgt, %get3A_257, %select_n3A_249 : vector<16xi32>
      %select_n3A_259 = arith.select %gt3A_258, %get3A_257, %select_n3A_249 : vector<16xi1>, vector<16xi32>
      %jit3A_260 = arith.constant 12 : i32
      %broadcast_in_dim3A_261 = vector.broadcast %jit3A_260 : i32 to vector<16xi32>
      %select_n3A_262 = arith.select %gt3A_258, %broadcast_in_dim3A_261, %select_n3A_252 : vector<16xi1>, vector<16xi32>
      %get3A_263 = arith.constant 13 : i32
      %get3A_264 = arith.index_cast %get3A_263 : i32 to index
      %get3A_265 = arith.index_cast %mul3A_139 : i32 to index
      %get3A_266 = tpu.vector_load %arg13[%get3A_264, %get3A_265] {strides = array<i32>} : memref<20x256xi32, #tpu.memory_space<vmem>>, vector<1x16xi32>,
      %get3A_267 = vector.shape_cast %get3A_266 : vector<1x16xi32> to vector<16xi32>
      %gt3A_268 = arith.cmpi sgt, %get3A_267, %select_n3A_259 : vector<16xi32>
      %select_n3A_269 = arith.select %gt3A_268, %get3A_267, %select_n3A_259 : vector<16xi1>, vector<16xi32>
      %jit3A_270 = arith.constant 13 : i32
      %broadcast_in_dim3A_271 = vector.broadcast %jit3A_270 : i32 to vector<16xi32>
      %select_n3A_272 = arith.select %gt3A_268, %broadcast_in_dim3A_271, %select_n3A_262 : vector<16xi1>, vector<16xi32>
      %get3A_273 = arith.constant 14 : i32
      %get3A_274 = arith.index_cast %get3A_273 : i32 to index
      %get3A_275 = arith.index_cast %mul3A_139 : i32 to index
      %get3A_276 = tpu.vector_load %arg13[%get3A_274, %get3A_275] {strides = array<i32>} : memref<20x256xi32, #tpu.memory_space<vmem>>, vector<1x16xi32>,
      %get3A_277 = vector.shape_cast %get3A_276 : vector<1x16xi32> to vector<16xi32>
      %gt3A_278 = arith.cmpi sgt, %get3A_277, %select_n3A_269 : vector<16xi32>
      %select_n3A_279 = arith.select %gt3A_278, %get3A_277, %select_n3A_269 : vector<16xi1>, vector<16xi32>
      %jit3A_280 = arith.constant 14 : i32
      %broadcast_in_dim3A_281 = vector.broadcast %jit3A_280 : i32 to vector<16xi32>
      %select_n3A_282 = arith.select %gt3A_278, %broadcast_in_dim3A_281, %select_n3A_272 : vector<16xi1>, vector<16xi32>
      %get3A_283 = arith.constant 15 : i32
      %get3A_284 = arith.index_cast %get3A_283 : i32 to index
      %get3A_285 = arith.index_cast %mul3A_139 : i32 to index
      %get3A_286 = tpu.vector_load %arg13[%get3A_284, %get3A_285] {strides = array<i32>} : memref<20x256xi32, #tpu.memory_space<vmem>>, vector<1x16xi32>,
      %get3A_287 = vector.shape_cast %get3A_286 : vector<1x16xi32> to vector<16xi32>
      %gt3A_288 = arith.cmpi sgt, %get3A_287, %select_n3A_279 : vector<16xi32>
      %select_n3A_289 = arith.select %gt3A_288, %get3A_287, %select_n3A_279 : vector<16xi1>, vector<16xi32>
      %jit3A_290 = arith.constant 15 : i32
      %broadcast_in_dim3A_291 = vector.broadcast %jit3A_290 : i32 to vector<16xi32>
      %select_n3A_292 = arith.select %gt3A_288, %broadcast_in_dim3A_291, %select_n3A_282 : vector<16xi1>, vector<16xi32>
      %get3A_293 = arith.constant 16 : i32
      %get3A_294 = arith.index_cast %get3A_293 : i32 to index
      %get3A_295 = arith.index_cast %mul3A_139 : i32 to index
      %get3A_296 = tpu.vector_load %arg13[%get3A_294, %get3A_295] {strides = array<i32>} : memref<20x256xi32, #tpu.memory_space<vmem>>, vector<1x16xi32>,
      %get3A_297 = vector.shape_cast %get3A_296 : vector<1x16xi32> to vector<16xi32>
      %gt3A_298 = arith.cmpi sgt, %get3A_297, %select_n3A_289 : vector<16xi32>
      %select_n3A_299 = arith.select %gt3A_298, %get3A_297, %select_n3A_289 : vector<16xi1>, vector<16xi32>
      %jit3A_300 = arith.constant 16 : i32
      %broadcast_in_dim3A_301 = vector.broadcast %jit3A_300 : i32 to vector<16xi32>
      %select_n3A_302 = arith.select %gt3A_298, %broadcast_in_dim3A_301, %select_n3A_292 : vector<16xi1>, vector<16xi32>
      %get3A_303 = arith.constant 17 : i32
      %get3A_304 = arith.index_cast %get3A_303 : i32 to index
      %get3A_305 = arith.index_cast %mul3A_139 : i32 to index
      %get3A_306 = tpu.vector_load %arg13[%get3A_304, %get3A_305] {strides = array<i32>} : memref<20x256xi32, #tpu.memory_space<vmem>>, vector<1x16xi32>,
      %get3A_307 = vector.shape_cast %get3A_306 : vector<1x16xi32> to vector<16xi32>
      %gt3A_308 = arith.cmpi sgt, %get3A_307, %select_n3A_299 : vector<16xi32>
      %select_n3A_309 = arith.select %gt3A_308, %get3A_307, %select_n3A_299 : vector<16xi1>, vector<16xi32>
      %jit3A_310 = arith.constant 17 : i32
      %broadcast_in_dim3A_311 = vector.broadcast %jit3A_310 : i32 to vector<16xi32>
      %select_n3A_312 = arith.select %gt3A_308, %broadcast_in_dim3A_311, %select_n3A_302 : vector<16xi1>, vector<16xi32>
      %get3A_313 = arith.constant 18 : i32
      %get3A_314 = arith.index_cast %get3A_313 : i32 to index
      %get3A_315 = arith.index_cast %mul3A_139 : i32 to index
      %get3A_316 = tpu.vector_load %arg13[%get3A_314, %get3A_315] {strides = array<i32>} : memref<20x256xi32, #tpu.memory_space<vmem>>, vector<1x16xi32>,
      %get3A_317 = vector.shape_cast %get3A_316 : vector<1x16xi32> to vector<16xi32>
      %gt3A_318 = arith.cmpi sgt, %get3A_317, %select_n3A_309 : vector<16xi32>
      %select_n3A_319 = arith.select %gt3A_318, %get3A_317, %select_n3A_309 : vector<16xi1>, vector<16xi32>
      %jit3A_320 = arith.constant 18 : i32
      %broadcast_in_dim3A_321 = vector.broadcast %jit3A_320 : i32 to vector<16xi32>
      %select_n3A_322 = arith.select %gt3A_318, %broadcast_in_dim3A_321, %select_n3A_312 : vector<16xi1>, vector<16xi32>
      %get3A_323 = arith.constant 19 : i32
      %get3A_324 = arith.index_cast %get3A_323 : i32 to index
      %get3A_325 = arith.index_cast %mul3A_139 : i32 to index
      %get3A_326 = tpu.vector_load %arg13[%get3A_324, %get3A_325] {strides = array<i32>} : memref<20x256xi32, #tpu.memory_space<vmem>>, vector<1x16xi32>,
      %get3A_327 = vector.shape_cast %get3A_326 : vector<1x16xi32> to vector<16xi32>
      %gt3A_328 = arith.cmpi sgt, %get3A_327, %select_n3A_319 : vector<16xi32>
      %select_n3A_329 = arith.select %gt3A_328, %get3A_327, %select_n3A_319 : vector<16xi1>, vector<16xi32>
      %jit3A_330 = arith.constant 19 : i32
      %broadcast_in_dim3A_331 = vector.broadcast %jit3A_330 : i32 to vector<16xi32>
      %select_n3A_332 = arith.select %gt3A_328, %broadcast_in_dim3A_331, %select_n3A_322 : vector<16xi1>, vector<16xi32>
      %convert_element_type3A = arith.sitofp %select_n3A_332 : vector<16xi32> to vector<16xf32>
      %swap3A_333 = arith.index_cast %mul3A_139 : i32 to index
      %swap3A_334 = tpu.vector_load %arg14[%swap3A_333] {strides = array<i32>} : memref<256xf32, #tpu.memory_space<vmem>>, vector<16xf32>,
      %swap3A_335 = vector.shape_cast %swap3A_334 : vector<16xf32> to vector<16xf32>
      %swap3A_336 = vector.shape_cast %convert_element_type3A : vector<16xf32> to vector<16xf32>
      tpu.vector_store %arg14[%swap3A_333], %swap3A_336 {strides = array<i32>} : memref<256xf32, #tpu.memory_space<vmem>>, vector<16xf32>,
    }
    %scan3A_129 = arith.constant 16 : i32
    "tpu.region"() ({
      %run_scoped3A_137 = tpu.sem_alloc : memref<!tpu.dma_semaphore, #tpu.memory_space<semaphore_mem>>
      %dma_start3A = tpu.memref_slice %arg5[%mul3A_2] : memref<4096xf32, #tpu.memory_space<hbm>> -> memref<256xf32, #tpu.memory_space<hbm>>
      %dma_start3A_138 = tpu.memref_slice %arg5[%mul3A_2] : memref<4096xf32, #tpu.memory_space<hbm>> -> memref<256xf32, #tpu.memory_space<hbm>>
      tpu.enqueue_dma source(%arg14 : memref<256xf32, #tpu.memory_space<vmem>>) target(%dma_start3A_138 : memref<256xf32, #tpu.memory_space<hbm>>) target_semaphore(%run_scoped3A_137 : memref<!tpu.dma_semaphore, #tpu.memory_space<semaphore_mem>>)
      %dma_wait3A = tpu.memref_slice %arg5[%mul3A_2] : memref<4096xf32, #tpu.memory_space<hbm>> -> memref<256xf32, #tpu.memory_space<hbm>>
      %dma_wait3A_139 = tpu.memref_slice %arg5[%mul3A_2] : memref<4096xf32, #tpu.memory_space<hbm>> -> memref<256xf32, #tpu.memory_space<hbm>>
      tpu.wait_dma2 semaphore(%run_scoped3A_137 : memref<!tpu.dma_semaphore, #tpu.memory_space<semaphore_mem>>) src(%arg14 : memref<256xf32, #tpu.memory_space<vmem>>) dst(%dma_wait3A_139 : memref<256xf32, #tpu.memory_space<hbm>>)
      tpu.yield
    }) : () -> ()
    "tpu.region"() ({
      %run_scoped3A_137 = tpu.sem_alloc : memref<!tpu.dma_semaphore, #tpu.memory_space<semaphore_mem>>
      %dma_start3A = tpu.memref_slice %arg18[%mul3A_2] : memref<4096xf32, #tpu.memory_space<vmem_shared>> -> memref<256xf32, #tpu.memory_space<vmem_shared>>
      %dma_start3A_138 = tpu.memref_slice %arg18[%mul3A_2] : memref<4096xf32, #tpu.memory_space<vmem_shared>> -> memref<256xf32, #tpu.memory_space<vmem_shared>>
      tpu.enqueue_dma source(%arg14 : memref<256xf32, #tpu.memory_space<vmem>>) target(%dma_start3A_138 : memref<256xf32, #tpu.memory_space<vmem_shared>>) target_semaphore(%run_scoped3A_137 : memref<!tpu.dma_semaphore, #tpu.memory_space<semaphore_mem>>)
      %dma_wait3A = tpu.memref_slice %arg18[%mul3A_2] : memref<4096xf32, #tpu.memory_space<vmem_shared>> -> memref<256xf32, #tpu.memory_space<vmem_shared>>
      %dma_wait3A_139 = tpu.memref_slice %arg18[%mul3A_2] : memref<4096xf32, #tpu.memory_space<vmem_shared>> -> memref<256xf32, #tpu.memory_space<vmem_shared>>
      tpu.wait_dma2 semaphore(%run_scoped3A_137 : memref<!tpu.dma_semaphore, #tpu.memory_space<semaphore_mem>>) src(%arg14 : memref<256xf32, #tpu.memory_space<vmem>>) dst(%dma_wait3A_139 : memref<256xf32, #tpu.memory_space<vmem_shared>>)
      tpu.yield
    }) : () -> ()
    %barrier3A_130 = arith.constant 0 : index
    tpu.barrier barrier_id(%barrier3A_130)
    %scan3A_131 = arith.constant 0 : i32
    %scan3A_132 = arith.constant 32 : i32
    %scan3A_133 = arith.addi %scan3A_131, %scan3A_132 : i32
    %scan3A_134 = arith.constant 1 : i32
    scf.for %scan3A_137 = %scan3A_131 to %scan3A_133 step %scan3A_134  : i32 {
      %mul3A_138 = arith.constant 128 : i32
      %mul3A_139 = arith.muli %scan3A_137, %mul3A_138 : i32
      %mul3A_140 = arith.constant 128 : i32
      %mul3A_141 = arith.muli %scan3A_137, %mul3A_140 : i32
      %dma_start3A = tpu.memref_slice %arg15[%mul3A_141] : memref<4096xf32, #tpu.memory_space<vmem>> -> memref<128xf32, #tpu.memory_space<vmem>>
      %dma_start3A_142 = tpu.memref_slice %arg8[%mul3A_139] : memref<4096xi32, #tpu.memory_space<vmem>> -> memref<128xi32, #tpu.memory_space<vmem>>
      %dma_start3A_143 = arith.constant 0 : i32
      %dma_start3A_144 = tpu.memref_slice %arg18[%dma_start3A_143] : memref<4096xf32, #tpu.memory_space<vmem_shared>> -> memref<4096xf32, #tpu.memory_space<vmem_shared>>
      tpu.enqueue_indirect_dma source(%dma_start3A_144 : memref<4096xf32, #tpu.memory_space<vmem_shared>>) target(%dma_start3A : memref<128xf32, #tpu.memory_space<vmem>>) offsets(%dma_start3A_142 : memref<128xi32, #tpu.memory_space<vmem>>) semaphore(%arg20 : memref<!tpu.dma_semaphore, #tpu.memory_space<semaphore_mem>>)
      %dma_start3A_145 = tpu.memref_slice %arg8[%mul3A_139] : memref<4096xi32, #tpu.memory_space<vmem>> -> memref<128xi32, #tpu.memory_space<vmem>>
      %dma_start3A_146 = arith.constant 0 : i32
      %dma_start3A_147 = arith.constant 0 : i32
      %dma_start3A_148 = tpu.memref_slice %arg4[%dma_start3A_146, %dma_start3A_147] : memref<4096x64xf32, #tpu.memory_space<hbm>> -> memref<4096x64xf32, #tpu.memory_space<hbm>>
      tpu.enqueue_indirect_dma source(%dma_start3A_148 : memref<4096x64xf32, #tpu.memory_space<hbm>>) target(%arg16 : memref<128x64xf32, #tpu.memory_space<vmem>>) offsets(%dma_start3A_145 : memref<128xi32, #tpu.memory_space<vmem>>) semaphore(%arg19 : memref<!tpu.dma_semaphore, #tpu.memory_space<semaphore_mem>>)
      %dma_wait3A = tpu.memref_slice %arg8[%mul3A_139] : memref<4096xi32, #tpu.memory_space<vmem>> -> memref<128xi32, #tpu.memory_space<vmem>>
      %dma_wait3A_149 = arith.constant 0 : i32
      %dma_wait3A_150 = arith.constant 0 : i32
      %dma_wait3A_151 = tpu.memref_slice %arg4[%dma_wait3A_149, %dma_wait3A_150] : memref<4096x64xf32, #tpu.memory_space<hbm>> -> memref<4096x64xf32, #tpu.memory_space<hbm>>
      tpu.wait_indirect_dma semaphore(%arg19 : memref<!tpu.dma_semaphore, #tpu.memory_space<semaphore_mem>>) src(%dma_wait3A_151 : memref<4096x64xf32, #tpu.memory_space<hbm>>) dst(%arg16 : memref<128x64xf32, #tpu.memory_space<vmem>>)
      %mul3A_152 = arith.constant 128 : i32
      %mul3A_153 = arith.muli %scan3A_137, %mul3A_152 : i32
      %add3A_154 = arith.addi %mul3A_0, %mul3A_153 : i32
      "tpu.region"() ({
        %run_scoped3A_159 = tpu.sem_alloc : memref<!tpu.dma_semaphore, #tpu.memory_space<semaphore_mem>>
        %dma_start3A_160 = arith.constant 0 : i32
        %dma_start3A_161 = tpu.memref_slice %arg7[%add3A_154, %dma_start3A_160] : memref<65536x64xf32, #tpu.memory_space<hbm>> -> memref<128x64xf32, #tpu.memory_space<hbm>>
        %dma_start3A_162 = arith.constant 0 : i32
        %dma_start3A_163 = tpu.memref_slice %arg7[%add3A_154, %dma_start3A_162] : memref<65536x64xf32, #tpu.memory_space<hbm>> -> memref<128x64xf32, #tpu.memory_space<hbm>>
        tpu.enqueue_dma source(%arg16 : memref<128x64xf32, #tpu.memory_space<vmem>>) target(%dma_start3A_163 : memref<128x64xf32, #tpu.memory_space<hbm>>) target_semaphore(%run_scoped3A_159 : memref<!tpu.dma_semaphore, #tpu.memory_space<semaphore_mem>>)
        %dma_wait3A_164 = arith.constant 0 : i32
        %dma_wait3A_165 = tpu.memref_slice %arg7[%add3A_154, %dma_wait3A_164] : memref<65536x64xf32, #tpu.memory_space<hbm>> -> memref<128x64xf32, #tpu.memory_space<hbm>>
        %dma_wait3A_166 = arith.constant 0 : i32
        %dma_wait3A_167 = tpu.memref_slice %arg7[%add3A_154, %dma_wait3A_166] : memref<65536x64xf32, #tpu.memory_space<hbm>> -> memref<128x64xf32, #tpu.memory_space<hbm>>
        tpu.wait_dma2 semaphore(%run_scoped3A_159 : memref<!tpu.dma_semaphore, #tpu.memory_space<semaphore_mem>>) src(%arg16 : memref<128x64xf32, #tpu.memory_space<vmem>>) dst(%dma_wait3A_167 : memref<128x64xf32, #tpu.memory_space<hbm>>)
        tpu.yield
      }) : () -> ()
      %dma_wait3A_155 = tpu.memref_slice %arg15[%mul3A_141] : memref<4096xf32, #tpu.memory_space<vmem>> -> memref<128xf32, #tpu.memory_space<vmem>>
      %dma_wait3A_156 = tpu.memref_slice %arg8[%mul3A_139] : memref<4096xi32, #tpu.memory_space<vmem>> -> memref<128xi32, #tpu.memory_space<vmem>>
      %dma_wait3A_157 = arith.constant 0 : i32
      %dma_wait3A_158 = tpu.memref_slice %arg18[%dma_wait3A_157] : memref<4096xf32, #tpu.memory_space<vmem_shared>> -> memref<4096xf32, #tpu.memory_space<vmem_shared>>
      tpu.wait_indirect_dma semaphore(%arg20 : memref<!tpu.dma_semaphore, #tpu.memory_space<semaphore_mem>>) src(%dma_wait3A_158 : memref<4096xf32, #tpu.memory_space<vmem_shared>>) dst(%dma_wait3A_155 : memref<128xf32, #tpu.memory_space<vmem>>)
    }
    %scan3A_135 = arith.constant 32 : i32
    "tpu.region"() ({
      %run_scoped3A_137 = tpu.sem_alloc : memref<!tpu.dma_semaphore, #tpu.memory_space<semaphore_mem>>
      %dma_start3A = tpu.memref_slice %arg6[%mul3A_0] : memref<65536xf32, #tpu.memory_space<hbm>> -> memref<4096xf32, #tpu.memory_space<hbm>>
      %dma_start3A_138 = tpu.memref_slice %arg6[%mul3A_0] : memref<65536xf32, #tpu.memory_space<hbm>> -> memref<4096xf32, #tpu.memory_space<hbm>>
      tpu.enqueue_dma source(%arg15 : memref<4096xf32, #tpu.memory_space<vmem>>) target(%dma_start3A_138 : memref<4096xf32, #tpu.memory_space<hbm>>) target_semaphore(%run_scoped3A_137 : memref<!tpu.dma_semaphore, #tpu.memory_space<semaphore_mem>>)
      %dma_wait3A = tpu.memref_slice %arg6[%mul3A_0] : memref<65536xf32, #tpu.memory_space<hbm>> -> memref<4096xf32, #tpu.memory_space<hbm>>
      %dma_wait3A_139 = tpu.memref_slice %arg6[%mul3A_0] : memref<65536xf32, #tpu.memory_space<hbm>> -> memref<4096xf32, #tpu.memory_space<hbm>>
      tpu.wait_dma2 semaphore(%run_scoped3A_137 : memref<!tpu.dma_semaphore, #tpu.memory_space<semaphore_mem>>) src(%arg15 : memref<4096xf32, #tpu.memory_space<vmem>>) dst(%dma_wait3A_139 : memref<4096xf32, #tpu.memory_space<hbm>>)
      tpu.yield
    }) : () -> ()
    %barrier3A_136 = arith.constant 0 : index
    tpu.barrier barrier_id(%barrier3A_136)
    return
  }
}

module attributes {stable_mosaic.version = 14 : i64} {
  func.func @_main_body(%arg0: i32, %arg1: memref<4096x64xf32, #tpu.memory_space<vmem>>, %arg2: memref<1024x64xf32, #tpu.memory_space<vmem>>, %arg3: memref<1024x64xf32, #tpu.memory_space<vmem>>, %arg4: memref<1024x1xf32, #tpu.memory_space<vmem>>, %arg5: memref<1x4096xf32, #tpu.memory_space<vmem>>, %arg6: memref<1x1xf32, #tpu.memory_space<vmem>>, %arg7: memref<4096x64xf32, #tpu.memory_space<vmem>>) attributes {dimension_semantics = [#tpu.dimension_semantics<arbitrary>], iteration_bounds = array<i64: 64>, scalar_prefetch = 0 : i64, scratch_operands = 1 : i64, tpu.core_type = #tpu.core_type<tc>, window_params = [{pipeline_mode = #tpu.pipeline_mode<synchronous>, transform_indices = @transform_0, window_bounds = array<i64: 4096, 64>}, {transform_indices = @transform_1, window_bounds = array<i64: 1024, 64>}, {transform_indices = @transform_2, window_bounds = array<i64: 1024, 64>}, {transform_indices = @transform_3, window_bounds = array<i64: 1024, 1>}, {pipeline_mode = #tpu.pipeline_mode<synchronous>, transform_indices = @transform_4, window_bounds = array<i64: 1, 4096>}, {pipeline_mode = #tpu.pipeline_mode<synchronous>, transform_indices = @transform_5, window_bounds = array<i64: 1, 1>}]} {
    %eq3A = arith.constant 0 : i32
    %eq3A_0 = arith.cmpi eq, %arg0, %eq3A : i32
    %convert_element_type3A = arith.extui %eq3A_0 : i1 to i32
    %cond3A = arith.constant 0 : i32
    %cond3A_1 = arith.cmpi ne, %convert_element_type3A, %cond3A : i32
    scf.if %cond3A_1 {
      %get3A_503 = arith.constant 0 : index
      %get3A_504 = arith.constant 0 : index
      %get3A_505 = vector.load %arg1[%get3A_503, %get3A_504] : memref<4096x64xf32, #tpu.memory_space<vmem>>, vector<4096x64xf32>
      %mul3A_506 = arith.mulf %get3A_505, %get3A_505 : vector<4096x64xf32>
      %reduce_sum3A_507 = arith.constant dense<0.000000e+00> : vector<4096xf32>
      %reduce_sum3A_508 = vector.multi_reduction <add>, %mul3A_506, %reduce_sum3A_507 [1] : vector<4096x64xf32> to vector<4096xf32>
      %broadcast_in_dim3A_509 = vector.shape_cast %reduce_sum3A_508 : vector<4096xf32> to vector<4096x1xf32>
      %sqrt3A_510 = math.sqrt %broadcast_in_dim3A_509 : vector<4096x1xf32>
      %max3A_511 = arith.constant 9.99999996E-13 : f32
      %max3A_512 = vector.broadcast %max3A_511 : f32 to vector<4096x1xf32>
      %max3A_513 = arith.maximumf %sqrt3A_510, %max3A_512 : vector<4096x1xf32>
      %div3A_514 = vector.broadcast %max3A_513 : vector<4096x1xf32> to vector<4096x64xf32>
      %div3A_515 = arith.divf %get3A_505, %div3A_514 : vector<4096x64xf32>
      %swap3A_516 = arith.constant 0 : index
      %swap3A_517 = arith.constant 0 : index
      %swap3A_518 = vector.load %arg7[%swap3A_516, %swap3A_517] : memref<4096x64xf32, #tpu.memory_space<vmem>>, vector<4096x64xf32>
      tpu.vector_store %arg7[%swap3A_516, %swap3A_517], %div3A_515 {strides = array<i32>} : memref<4096x64xf32, #tpu.memory_space<vmem>>, vector<4096x64xf32>,
      %broadcast_in_dim3A_519 = arith.constant 0.000000e+00 : f32
      %broadcast_in_dim3A_520 = vector.broadcast %broadcast_in_dim3A_519 : f32 to vector<1x1xf32>
      %swap3A_521 = arith.constant 0 : index
      %swap3A_522 = arith.constant 0 : index
      %swap3A_523 = vector.load %arg6[%swap3A_521, %swap3A_522] : memref<1x1xf32, #tpu.memory_space<vmem>>, vector<1x1xf32>
      tpu.vector_store %arg6[%swap3A_521, %swap3A_522], %broadcast_in_dim3A_520 {strides = array<i32>} : memref<1x1xf32, #tpu.memory_space<vmem>>, vector<1x1xf32>,
    } else {
    }
    %get3A = arith.constant 0 : index
    %get3A_2 = arith.constant 0 : index
    %get3A_3 = vector.load %arg2[%get3A, %get3A_2] : memref<1024x64xf32, #tpu.memory_space<vmem>>, vector<1024x64xf32>
    %mul3A = arith.mulf %get3A_3, %get3A_3 : vector<1024x64xf32>
    %reduce_sum3A = arith.constant dense<0.000000e+00> : vector<1024xf32>
    %reduce_sum3A_4 = vector.multi_reduction <add>, %mul3A, %reduce_sum3A [1] : vector<1024x64xf32> to vector<1024xf32>
    %broadcast_in_dim3A = vector.shape_cast %reduce_sum3A_4 : vector<1024xf32> to vector<1024x1xf32>
    %sqrt3A = math.sqrt %broadcast_in_dim3A : vector<1024x1xf32>
    %max3A = arith.constant 9.99999996E-13 : f32
    %max3A_5 = vector.broadcast %max3A : f32 to vector<1024x1xf32>
    %max3A_6 = arith.maximumf %sqrt3A, %max3A_5 : vector<1024x1xf32>
    %div3A = vector.broadcast %max3A_6 : vector<1024x1xf32> to vector<1024x64xf32>
    %div3A_7 = arith.divf %get3A_3, %div3A : vector<1024x64xf32>
    %get3A_8 = arith.constant 0 : index
    %get3A_9 = arith.constant 0 : index
    %get3A_10 = vector.load %arg3[%get3A_8, %get3A_9] : memref<1024x64xf32, #tpu.memory_space<vmem>>, vector<1024x64xf32>
    %mul3A_11 = arith.mulf %get3A_10, %get3A_10 : vector<1024x64xf32>
    %reduce_sum3A_12 = arith.constant dense<0.000000e+00> : vector<1024xf32>
    %reduce_sum3A_13 = vector.multi_reduction <add>, %mul3A_11, %reduce_sum3A_12 [1] : vector<1024x64xf32> to vector<1024xf32>
    %broadcast_in_dim3A_14 = vector.shape_cast %reduce_sum3A_13 : vector<1024xf32> to vector<1024x1xf32>
    %sqrt3A_15 = math.sqrt %broadcast_in_dim3A_14 : vector<1024x1xf32>
    %max3A_16 = arith.constant 9.99999996E-13 : f32
    %max3A_17 = vector.broadcast %max3A_16 : f32 to vector<1024x1xf32>
    %max3A_18 = arith.maximumf %sqrt3A_15, %max3A_17 : vector<1024x1xf32>
    %div3A_19 = vector.broadcast %max3A_18 : vector<1024x1xf32> to vector<1024x64xf32>
    %div3A_20 = arith.divf %get3A_10, %div3A_19 : vector<1024x64xf32>
    %mul3A_21 = arith.mulf %div3A_7, %div3A_20 : vector<1024x64xf32>
    %reduce_sum3A_22 = arith.constant dense<0.000000e+00> : vector<1024xf32>
    %reduce_sum3A_23 = vector.multi_reduction <add>, %mul3A_21, %reduce_sum3A_22 [1] : vector<1024x64xf32> to vector<1024xf32>
    %broadcast_in_dim3A_24 = vector.shape_cast %reduce_sum3A_23 : vector<1024xf32> to vector<1024x1xf32>
    %mul3A_25 = arith.constant 1.000000e+01 : f32
    %mul3A_26 = vector.broadcast %mul3A_25 : f32 to vector<1024x1xf32>
    %mul3A_27 = arith.mulf %broadcast_in_dim3A_24, %mul3A_26 : vector<1024x1xf32>
    %mul3A_28 = arith.constant 1.000000e+01 : f32
    %mul3A_29 = vector.broadcast %mul3A_28 : f32 to vector<1024x64xf32>
    %mul3A_30 = arith.mulf %div3A_7, %mul3A_29 : vector<1024x64xf32>
    %get3A_31 = arith.constant 0 : index
    %get3A_32 = arith.constant 0 : index
    %get3A_33 = vector.load %arg7[%get3A_31, %get3A_32] : memref<4096x64xf32, #tpu.memory_space<vmem>>, vector<4096x64xf32>
    %dot_general3A = arith.constant dense<0.000000e+00> : vector<1024x4096xf32>
    %dot_general3A_34 = tpu.matmul %mul3A_30, %get3A_33, %dot_general3A {dimension_numbers = #tpu.dot_dimension_numbers<[1], [1], [0], [0], [0, 0, 1, 0], [], []>, transpose_lhs_hint = false} : vector<1024x64xf32>, vector<4096x64xf32>, vector<1024x4096xf32> -> vector<1024x4096xf32>
    %get3A_35 = arith.constant 0 : index
    %get3A_36 = arith.constant 0 : index
    %get3A_37 = vector.load %arg5[%get3A_35, %get3A_36] : memref<1x4096xf32, #tpu.memory_space<vmem>>, vector<1x4096xf32>
    %get3A_38 = arith.constant 0 : index
    %get3A_39 = arith.constant 0 : index
    %get3A_40 = vector.load %arg4[%get3A_38, %get3A_39] : memref<1024x1xf32, #tpu.memory_space<vmem>>, vector<1024x1xf32>
    %slice3A = vector.extract_strided_slice %get3A_37 {offsets = [0, 0], sizes = [1, 128], strides = [1, 1]} : vector<1x4096xf32> to vector<1x128xf32>
    %eq3A_41 = vector.broadcast %get3A_40 : vector<1024x1xf32> to vector<1024x128xf32>
    %eq3A_42 = vector.broadcast %slice3A : vector<1x128xf32> to vector<1024x128xf32>
    %eq3A_43 = arith.cmpf oeq, %eq3A_41, %eq3A_42 : vector<1024x128xf32>
    %slice3A_44 = vector.extract_strided_slice %dot_general3A_34 {offsets = [0, 0], sizes = [1024, 128], strides = [1, 1]} : vector<1024x4096xf32> to vector<1024x128xf32>
    %jit3A = arith.constant -1.000000e+30 : f32
    %broadcast_in_dim3A_45 = vector.broadcast %jit3A : f32 to vector<1024x128xf32>
    %select_n3A = arith.select %eq3A_43, %broadcast_in_dim3A_45, %slice3A_44 : vector<1024x128xi1>, vector<1024x128xf32>
    %broadcast_in_dim3A_46 = arith.constant -1.000000e+30 : f32
    %broadcast_in_dim3A_47 = vector.broadcast %broadcast_in_dim3A_46 : f32 to vector<1024x128xf32>
    %slice3A_48 = vector.extract_strided_slice %get3A_37 {offsets = [0, 128], sizes = [1, 128], strides = [1, 1]} : vector<1x4096xf32> to vector<1x128xf32>
    %eq3A_49 = vector.broadcast %get3A_40 : vector<1024x1xf32> to vector<1024x128xf32>
    %eq3A_50 = vector.broadcast %slice3A_48 : vector<1x128xf32> to vector<1024x128xf32>
    %eq3A_51 = arith.cmpf oeq, %eq3A_49, %eq3A_50 : vector<1024x128xf32>
    %slice3A_52 = vector.extract_strided_slice %dot_general3A_34 {offsets = [0, 128], sizes = [1024, 128], strides = [1, 1]} : vector<1024x4096xf32> to vector<1024x128xf32>
    %jit3A_53 = arith.constant -1.000000e+30 : f32
    %broadcast_in_dim3A_54 = vector.broadcast %jit3A_53 : f32 to vector<1024x128xf32>
    %select_n3A_55 = arith.select %eq3A_51, %broadcast_in_dim3A_54, %slice3A_52 : vector<1024x128xi1>, vector<1024x128xf32>
    %min3A = arith.minimumf %select_n3A, %select_n3A_55 : vector<1024x128xf32>
    %max3A_56 = arith.maximumf %select_n3A, %select_n3A_55 : vector<1024x128xf32>
    %max3A_57 = arith.maximumf %broadcast_in_dim3A_47, %min3A : vector<1024x128xf32>
    %slice3A_58 = vector.extract_strided_slice %get3A_37 {offsets = [0, 256], sizes = [1, 128], strides = [1, 1]} : vector<1x4096xf32> to vector<1x128xf32>
    %eq3A_59 = vector.broadcast %get3A_40 : vector<1024x1xf32> to vector<1024x128xf32>
    %eq3A_60 = vector.broadcast %slice3A_58 : vector<1x128xf32> to vector<1024x128xf32>
    %eq3A_61 = arith.cmpf oeq, %eq3A_59, %eq3A_60 : vector<1024x128xf32>
    %slice3A_62 = vector.extract_strided_slice %dot_general3A_34 {offsets = [0, 256], sizes = [1024, 128], strides = [1, 1]} : vector<1024x4096xf32> to vector<1024x128xf32>
    %jit3A_63 = arith.constant -1.000000e+30 : f32
    %broadcast_in_dim3A_64 = vector.broadcast %jit3A_63 : f32 to vector<1024x128xf32>
    %select_n3A_65 = arith.select %eq3A_61, %broadcast_in_dim3A_64, %slice3A_62 : vector<1024x128xi1>, vector<1024x128xf32>
    %min3A_66 = arith.minimumf %max3A_56, %select_n3A_65 : vector<1024x128xf32>
    %max3A_67 = arith.maximumf %max3A_56, %select_n3A_65 : vector<1024x128xf32>
    %max3A_68 = arith.maximumf %max3A_57, %min3A_66 : vector<1024x128xf32>
    %slice3A_69 = vector.extract_strided_slice %get3A_37 {offsets = [0, 384], sizes = [1, 128], strides = [1, 1]} : vector<1x4096xf32> to vector<1x128xf32>
    %eq3A_70 = vector.broadcast %get3A_40 : vector<1024x1xf32> to vector<1024x128xf32>
    %eq3A_71 = vector.broadcast %slice3A_69 : vector<1x128xf32> to vector<1024x128xf32>
    %eq3A_72 = arith.cmpf oeq, %eq3A_70, %eq3A_71 : vector<1024x128xf32>
    %slice3A_73 = vector.extract_strided_slice %dot_general3A_34 {offsets = [0, 384], sizes = [1024, 128], strides = [1, 1]} : vector<1024x4096xf32> to vector<1024x128xf32>
    %jit3A_74 = arith.constant -1.000000e+30 : f32
    %broadcast_in_dim3A_75 = vector.broadcast %jit3A_74 : f32 to vector<1024x128xf32>
    %select_n3A_76 = arith.select %eq3A_72, %broadcast_in_dim3A_75, %slice3A_73 : vector<1024x128xi1>, vector<1024x128xf32>
    %min3A_77 = arith.minimumf %max3A_67, %select_n3A_76 : vector<1024x128xf32>
    %max3A_78 = arith.maximumf %max3A_67, %select_n3A_76 : vector<1024x128xf32>
    %max3A_79 = arith.maximumf %max3A_68, %min3A_77 : vector<1024x128xf32>
    %slice3A_80 = vector.extract_strided_slice %get3A_37 {offsets = [0, 512], sizes = [1, 128], strides = [1, 1]} : vector<1x4096xf32> to vector<1x128xf32>
    %eq3A_81 = vector.broadcast %get3A_40 : vector<1024x1xf32> to vector<1024x128xf32>
    %eq3A_82 = vector.broadcast %slice3A_80 : vector<1x128xf32> to vector<1024x128xf32>
    %eq3A_83 = arith.cmpf oeq, %eq3A_81, %eq3A_82 : vector<1024x128xf32>
    %slice3A_84 = vector.extract_strided_slice %dot_general3A_34 {offsets = [0, 512], sizes = [1024, 128], strides = [1, 1]} : vector<1024x4096xf32> to vector<1024x128xf32>
    %jit3A_85 = arith.constant -1.000000e+30 : f32
    %broadcast_in_dim3A_86 = vector.broadcast %jit3A_85 : f32 to vector<1024x128xf32>
    %select_n3A_87 = arith.select %eq3A_83, %broadcast_in_dim3A_86, %slice3A_84 : vector<1024x128xi1>, vector<1024x128xf32>
    %min3A_88 = arith.minimumf %max3A_78, %select_n3A_87 : vector<1024x128xf32>
    %max3A_89 = arith.maximumf %max3A_78, %select_n3A_87 : vector<1024x128xf32>
    %max3A_90 = arith.maximumf %max3A_79, %min3A_88 : vector<1024x128xf32>
    %slice3A_91 = vector.extract_strided_slice %get3A_37 {offsets = [0, 640], sizes = [1, 128], strides = [1, 1]} : vector<1x4096xf32> to vector<1x128xf32>
    %eq3A_92 = vector.broadcast %get3A_40 : vector<1024x1xf32> to vector<1024x128xf32>
    %eq3A_93 = vector.broadcast %slice3A_91 : vector<1x128xf32> to vector<1024x128xf32>
    %eq3A_94 = arith.cmpf oeq, %eq3A_92, %eq3A_93 : vector<1024x128xf32>
    %slice3A_95 = vector.extract_strided_slice %dot_general3A_34 {offsets = [0, 640], sizes = [1024, 128], strides = [1, 1]} : vector<1024x4096xf32> to vector<1024x128xf32>
    %jit3A_96 = arith.constant -1.000000e+30 : f32
    %broadcast_in_dim3A_97 = vector.broadcast %jit3A_96 : f32 to vector<1024x128xf32>
    %select_n3A_98 = arith.select %eq3A_94, %broadcast_in_dim3A_97, %slice3A_95 : vector<1024x128xi1>, vector<1024x128xf32>
    %min3A_99 = arith.minimumf %max3A_89, %select_n3A_98 : vector<1024x128xf32>
    %max3A_100 = arith.maximumf %max3A_89, %select_n3A_98 : vector<1024x128xf32>
    %max3A_101 = arith.maximumf %max3A_90, %min3A_99 : vector<1024x128xf32>
    %slice3A_102 = vector.extract_strided_slice %get3A_37 {offsets = [0, 768], sizes = [1, 128], strides = [1, 1]} : vector<1x4096xf32> to vector<1x128xf32>
    %eq3A_103 = vector.broadcast %get3A_40 : vector<1024x1xf32> to vector<1024x128xf32>
    %eq3A_104 = vector.broadcast %slice3A_102 : vector<1x128xf32> to vector<1024x128xf32>
    %eq3A_105 = arith.cmpf oeq, %eq3A_103, %eq3A_104 : vector<1024x128xf32>
    %slice3A_106 = vector.extract_strided_slice %dot_general3A_34 {offsets = [0, 768], sizes = [1024, 128], strides = [1, 1]} : vector<1024x4096xf32> to vector<1024x128xf32>
    %jit3A_107 = arith.constant -1.000000e+30 : f32
    %broadcast_in_dim3A_108 = vector.broadcast %jit3A_107 : f32 to vector<1024x128xf32>
    %select_n3A_109 = arith.select %eq3A_105, %broadcast_in_dim3A_108, %slice3A_106 : vector<1024x128xi1>, vector<1024x128xf32>
    %min3A_110 = arith.minimumf %max3A_100, %select_n3A_109 : vector<1024x128xf32>
    %max3A_111 = arith.maximumf %max3A_100, %select_n3A_109 : vector<1024x128xf32>
    %max3A_112 = arith.maximumf %max3A_101, %min3A_110 : vector<1024x128xf32>
    %slice3A_113 = vector.extract_strided_slice %get3A_37 {offsets = [0, 896], sizes = [1, 128], strides = [1, 1]} : vector<1x4096xf32> to vector<1x128xf32>
    %eq3A_114 = vector.broadcast %get3A_40 : vector<1024x1xf32> to vector<1024x128xf32>
    %eq3A_115 = vector.broadcast %slice3A_113 : vector<1x128xf32> to vector<1024x128xf32>
    %eq3A_116 = arith.cmpf oeq, %eq3A_114, %eq3A_115 : vector<1024x128xf32>
    %slice3A_117 = vector.extract_strided_slice %dot_general3A_34 {offsets = [0, 896], sizes = [1024, 128], strides = [1, 1]} : vector<1024x4096xf32> to vector<1024x128xf32>
    %jit3A_118 = arith.constant -1.000000e+30 : f32
    %broadcast_in_dim3A_119 = vector.broadcast %jit3A_118 : f32 to vector<1024x128xf32>
    %select_n3A_120 = arith.select %eq3A_116, %broadcast_in_dim3A_119, %slice3A_117 : vector<1024x128xi1>, vector<1024x128xf32>
    %min3A_121 = arith.minimumf %max3A_111, %select_n3A_120 : vector<1024x128xf32>
    %max3A_122 = arith.maximumf %max3A_111, %select_n3A_120 : vector<1024x128xf32>
    %max3A_123 = arith.maximumf %max3A_112, %min3A_121 : vector<1024x128xf32>
    %slice3A_124 = vector.extract_strided_slice %get3A_37 {offsets = [0, 1024], sizes = [1, 128], strides = [1, 1]} : vector<1x4096xf32> to vector<1x128xf32>
    %eq3A_125 = vector.broadcast %get3A_40 : vector<1024x1xf32> to vector<1024x128xf32>
    %eq3A_126 = vector.broadcast %slice3A_124 : vector<1x128xf32> to vector<1024x128xf32>
    %eq3A_127 = arith.cmpf oeq, %eq3A_125, %eq3A_126 : vector<1024x128xf32>
    %slice3A_128 = vector.extract_strided_slice %dot_general3A_34 {offsets = [0, 1024], sizes = [1024, 128], strides = [1, 1]} : vector<1024x4096xf32> to vector<1024x128xf32>
    %jit3A_129 = arith.constant -1.000000e+30 : f32
    %broadcast_in_dim3A_130 = vector.broadcast %jit3A_129 : f32 to vector<1024x128xf32>
    %select_n3A_131 = arith.select %eq3A_127, %broadcast_in_dim3A_130, %slice3A_128 : vector<1024x128xi1>, vector<1024x128xf32>
    %min3A_132 = arith.minimumf %max3A_122, %select_n3A_131 : vector<1024x128xf32>
    %max3A_133 = arith.maximumf %max3A_122, %select_n3A_131 : vector<1024x128xf32>
    %max3A_134 = arith.maximumf %max3A_123, %min3A_132 : vector<1024x128xf32>
    %slice3A_135 = vector.extract_strided_slice %get3A_37 {offsets = [0, 1152], sizes = [1, 128], strides = [1, 1]} : vector<1x4096xf32> to vector<1x128xf32>
    %eq3A_136 = vector.broadcast %get3A_40 : vector<1024x1xf32> to vector<1024x128xf32>
    %eq3A_137 = vector.broadcast %slice3A_135 : vector<1x128xf32> to vector<1024x128xf32>
    %eq3A_138 = arith.cmpf oeq, %eq3A_136, %eq3A_137 : vector<1024x128xf32>
    %slice3A_139 = vector.extract_strided_slice %dot_general3A_34 {offsets = [0, 1152], sizes = [1024, 128], strides = [1, 1]} : vector<1024x4096xf32> to vector<1024x128xf32>
    %jit3A_140 = arith.constant -1.000000e+30 : f32
    %broadcast_in_dim3A_141 = vector.broadcast %jit3A_140 : f32 to vector<1024x128xf32>
    %select_n3A_142 = arith.select %eq3A_138, %broadcast_in_dim3A_141, %slice3A_139 : vector<1024x128xi1>, vector<1024x128xf32>
    %min3A_143 = arith.minimumf %max3A_133, %select_n3A_142 : vector<1024x128xf32>
    %max3A_144 = arith.maximumf %max3A_133, %select_n3A_142 : vector<1024x128xf32>
    %max3A_145 = arith.maximumf %max3A_134, %min3A_143 : vector<1024x128xf32>
    %slice3A_146 = vector.extract_strided_slice %get3A_37 {offsets = [0, 1280], sizes = [1, 128], strides = [1, 1]} : vector<1x4096xf32> to vector<1x128xf32>
    %eq3A_147 = vector.broadcast %get3A_40 : vector<1024x1xf32> to vector<1024x128xf32>
    %eq3A_148 = vector.broadcast %slice3A_146 : vector<1x128xf32> to vector<1024x128xf32>
    %eq3A_149 = arith.cmpf oeq, %eq3A_147, %eq3A_148 : vector<1024x128xf32>
    %slice3A_150 = vector.extract_strided_slice %dot_general3A_34 {offsets = [0, 1280], sizes = [1024, 128], strides = [1, 1]} : vector<1024x4096xf32> to vector<1024x128xf32>
    %jit3A_151 = arith.constant -1.000000e+30 : f32
    %broadcast_in_dim3A_152 = vector.broadcast %jit3A_151 : f32 to vector<1024x128xf32>
    %select_n3A_153 = arith.select %eq3A_149, %broadcast_in_dim3A_152, %slice3A_150 : vector<1024x128xi1>, vector<1024x128xf32>
    %min3A_154 = arith.minimumf %max3A_144, %select_n3A_153 : vector<1024x128xf32>
    %max3A_155 = arith.maximumf %max3A_144, %select_n3A_153 : vector<1024x128xf32>
    %max3A_156 = arith.maximumf %max3A_145, %min3A_154 : vector<1024x128xf32>
    %slice3A_157 = vector.extract_strided_slice %get3A_37 {offsets = [0, 1408], sizes = [1, 128], strides = [1, 1]} : vector<1x4096xf32> to vector<1x128xf32>
    %eq3A_158 = vector.broadcast %get3A_40 : vector<1024x1xf32> to vector<1024x128xf32>
    %eq3A_159 = vector.broadcast %slice3A_157 : vector<1x128xf32> to vector<1024x128xf32>
    %eq3A_160 = arith.cmpf oeq, %eq3A_158, %eq3A_159 : vector<1024x128xf32>
    %slice3A_161 = vector.extract_strided_slice %dot_general3A_34 {offsets = [0, 1408], sizes = [1024, 128], strides = [1, 1]} : vector<1024x4096xf32> to vector<1024x128xf32>
    %jit3A_162 = arith.constant -1.000000e+30 : f32
    %broadcast_in_dim3A_163 = vector.broadcast %jit3A_162 : f32 to vector<1024x128xf32>
    %select_n3A_164 = arith.select %eq3A_160, %broadcast_in_dim3A_163, %slice3A_161 : vector<1024x128xi1>, vector<1024x128xf32>
    %min3A_165 = arith.minimumf %max3A_155, %select_n3A_164 : vector<1024x128xf32>
    %max3A_166 = arith.maximumf %max3A_155, %select_n3A_164 : vector<1024x128xf32>
    %max3A_167 = arith.maximumf %max3A_156, %min3A_165 : vector<1024x128xf32>
    %slice3A_168 = vector.extract_strided_slice %get3A_37 {offsets = [0, 1536], sizes = [1, 128], strides = [1, 1]} : vector<1x4096xf32> to vector<1x128xf32>
    %eq3A_169 = vector.broadcast %get3A_40 : vector<1024x1xf32> to vector<1024x128xf32>
    %eq3A_170 = vector.broadcast %slice3A_168 : vector<1x128xf32> to vector<1024x128xf32>
    %eq3A_171 = arith.cmpf oeq, %eq3A_169, %eq3A_170 : vector<1024x128xf32>
    %slice3A_172 = vector.extract_strided_slice %dot_general3A_34 {offsets = [0, 1536], sizes = [1024, 128], strides = [1, 1]} : vector<1024x4096xf32> to vector<1024x128xf32>
    %jit3A_173 = arith.constant -1.000000e+30 : f32
    %broadcast_in_dim3A_174 = vector.broadcast %jit3A_173 : f32 to vector<1024x128xf32>
    %select_n3A_175 = arith.select %eq3A_171, %broadcast_in_dim3A_174, %slice3A_172 : vector<1024x128xi1>, vector<1024x128xf32>
    %min3A_176 = arith.minimumf %max3A_166, %select_n3A_175 : vector<1024x128xf32>
    %max3A_177 = arith.maximumf %max3A_166, %select_n3A_175 : vector<1024x128xf32>
    %max3A_178 = arith.maximumf %max3A_167, %min3A_176 : vector<1024x128xf32>
    %slice3A_179 = vector.extract_strided_slice %get3A_37 {offsets = [0, 1664], sizes = [1, 128], strides = [1, 1]} : vector<1x4096xf32> to vector<1x128xf32>
    %eq3A_180 = vector.broadcast %get3A_40 : vector<1024x1xf32> to vector<1024x128xf32>
    %eq3A_181 = vector.broadcast %slice3A_179 : vector<1x128xf32> to vector<1024x128xf32>
    %eq3A_182 = arith.cmpf oeq, %eq3A_180, %eq3A_181 : vector<1024x128xf32>
    %slice3A_183 = vector.extract_strided_slice %dot_general3A_34 {offsets = [0, 1664], sizes = [1024, 128], strides = [1, 1]} : vector<1024x4096xf32> to vector<1024x128xf32>
    %jit3A_184 = arith.constant -1.000000e+30 : f32
    %broadcast_in_dim3A_185 = vector.broadcast %jit3A_184 : f32 to vector<1024x128xf32>
    %select_n3A_186 = arith.select %eq3A_182, %broadcast_in_dim3A_185, %slice3A_183 : vector<1024x128xi1>, vector<1024x128xf32>
    %min3A_187 = arith.minimumf %max3A_177, %select_n3A_186 : vector<1024x128xf32>
    %max3A_188 = arith.maximumf %max3A_177, %select_n3A_186 : vector<1024x128xf32>
    %max3A_189 = arith.maximumf %max3A_178, %min3A_187 : vector<1024x128xf32>
    %slice3A_190 = vector.extract_strided_slice %get3A_37 {offsets = [0, 1792], sizes = [1, 128], strides = [1, 1]} : vector<1x4096xf32> to vector<1x128xf32>
    %eq3A_191 = vector.broadcast %get3A_40 : vector<1024x1xf32> to vector<1024x128xf32>
    %eq3A_192 = vector.broadcast %slice3A_190 : vector<1x128xf32> to vector<1024x128xf32>
    %eq3A_193 = arith.cmpf oeq, %eq3A_191, %eq3A_192 : vector<1024x128xf32>
    %slice3A_194 = vector.extract_strided_slice %dot_general3A_34 {offsets = [0, 1792], sizes = [1024, 128], strides = [1, 1]} : vector<1024x4096xf32> to vector<1024x128xf32>
    %jit3A_195 = arith.constant -1.000000e+30 : f32
    %broadcast_in_dim3A_196 = vector.broadcast %jit3A_195 : f32 to vector<1024x128xf32>
    %select_n3A_197 = arith.select %eq3A_193, %broadcast_in_dim3A_196, %slice3A_194 : vector<1024x128xi1>, vector<1024x128xf32>
    %min3A_198 = arith.minimumf %max3A_188, %select_n3A_197 : vector<1024x128xf32>
    %max3A_199 = arith.maximumf %max3A_188, %select_n3A_197 : vector<1024x128xf32>
    %max3A_200 = arith.maximumf %max3A_189, %min3A_198 : vector<1024x128xf32>
    %slice3A_201 = vector.extract_strided_slice %get3A_37 {offsets = [0, 1920], sizes = [1, 128], strides = [1, 1]} : vector<1x4096xf32> to vector<1x128xf32>
    %eq3A_202 = vector.broadcast %get3A_40 : vector<1024x1xf32> to vector<1024x128xf32>
    %eq3A_203 = vector.broadcast %slice3A_201 : vector<1x128xf32> to vector<1024x128xf32>
    %eq3A_204 = arith.cmpf oeq, %eq3A_202, %eq3A_203 : vector<1024x128xf32>
    %slice3A_205 = vector.extract_strided_slice %dot_general3A_34 {offsets = [0, 1920], sizes = [1024, 128], strides = [1, 1]} : vector<1024x4096xf32> to vector<1024x128xf32>
    %jit3A_206 = arith.constant -1.000000e+30 : f32
    %broadcast_in_dim3A_207 = vector.broadcast %jit3A_206 : f32 to vector<1024x128xf32>
    %select_n3A_208 = arith.select %eq3A_204, %broadcast_in_dim3A_207, %slice3A_205 : vector<1024x128xi1>, vector<1024x128xf32>
    %min3A_209 = arith.minimumf %max3A_199, %select_n3A_208 : vector<1024x128xf32>
    %max3A_210 = arith.maximumf %max3A_199, %select_n3A_208 : vector<1024x128xf32>
    %max3A_211 = arith.maximumf %max3A_200, %min3A_209 : vector<1024x128xf32>
    %slice3A_212 = vector.extract_strided_slice %get3A_37 {offsets = [0, 2048], sizes = [1, 128], strides = [1, 1]} : vector<1x4096xf32> to vector<1x128xf32>
    %eq3A_213 = vector.broadcast %get3A_40 : vector<1024x1xf32> to vector<1024x128xf32>
    %eq3A_214 = vector.broadcast %slice3A_212 : vector<1x128xf32> to vector<1024x128xf32>
    %eq3A_215 = arith.cmpf oeq, %eq3A_213, %eq3A_214 : vector<1024x128xf32>
    %slice3A_216 = vector.extract_strided_slice %dot_general3A_34 {offsets = [0, 2048], sizes = [1024, 128], strides = [1, 1]} : vector<1024x4096xf32> to vector<1024x128xf32>
    %jit3A_217 = arith.constant -1.000000e+30 : f32
    %broadcast_in_dim3A_218 = vector.broadcast %jit3A_217 : f32 to vector<1024x128xf32>
    %select_n3A_219 = arith.select %eq3A_215, %broadcast_in_dim3A_218, %slice3A_216 : vector<1024x128xi1>, vector<1024x128xf32>
    %min3A_220 = arith.minimumf %max3A_210, %select_n3A_219 : vector<1024x128xf32>
    %max3A_221 = arith.maximumf %max3A_210, %select_n3A_219 : vector<1024x128xf32>
    %max3A_222 = arith.maximumf %max3A_211, %min3A_220 : vector<1024x128xf32>
    %slice3A_223 = vector.extract_strided_slice %get3A_37 {offsets = [0, 2176], sizes = [1, 128], strides = [1, 1]} : vector<1x4096xf32> to vector<1x128xf32>
    %eq3A_224 = vector.broadcast %get3A_40 : vector<1024x1xf32> to vector<1024x128xf32>
    %eq3A_225 = vector.broadcast %slice3A_223 : vector<1x128xf32> to vector<1024x128xf32>
    %eq3A_226 = arith.cmpf oeq, %eq3A_224, %eq3A_225 : vector<1024x128xf32>
    %slice3A_227 = vector.extract_strided_slice %dot_general3A_34 {offsets = [0, 2176], sizes = [1024, 128], strides = [1, 1]} : vector<1024x4096xf32> to vector<1024x128xf32>
    %jit3A_228 = arith.constant -1.000000e+30 : f32
    %broadcast_in_dim3A_229 = vector.broadcast %jit3A_228 : f32 to vector<1024x128xf32>
    %select_n3A_230 = arith.select %eq3A_226, %broadcast_in_dim3A_229, %slice3A_227 : vector<1024x128xi1>, vector<1024x128xf32>
    %min3A_231 = arith.minimumf %max3A_221, %select_n3A_230 : vector<1024x128xf32>
    %max3A_232 = arith.maximumf %max3A_221, %select_n3A_230 : vector<1024x128xf32>
    %max3A_233 = arith.maximumf %max3A_222, %min3A_231 : vector<1024x128xf32>
    %slice3A_234 = vector.extract_strided_slice %get3A_37 {offsets = [0, 2304], sizes = [1, 128], strides = [1, 1]} : vector<1x4096xf32> to vector<1x128xf32>
    %eq3A_235 = vector.broadcast %get3A_40 : vector<1024x1xf32> to vector<1024x128xf32>
    %eq3A_236 = vector.broadcast %slice3A_234 : vector<1x128xf32> to vector<1024x128xf32>
    %eq3A_237 = arith.cmpf oeq, %eq3A_235, %eq3A_236 : vector<1024x128xf32>
    %slice3A_238 = vector.extract_strided_slice %dot_general3A_34 {offsets = [0, 2304], sizes = [1024, 128], strides = [1, 1]} : vector<1024x4096xf32> to vector<1024x128xf32>
    %jit3A_239 = arith.constant -1.000000e+30 : f32
    %broadcast_in_dim3A_240 = vector.broadcast %jit3A_239 : f32 to vector<1024x128xf32>
    %select_n3A_241 = arith.select %eq3A_237, %broadcast_in_dim3A_240, %slice3A_238 : vector<1024x128xi1>, vector<1024x128xf32>
    %min3A_242 = arith.minimumf %max3A_232, %select_n3A_241 : vector<1024x128xf32>
    %max3A_243 = arith.maximumf %max3A_232, %select_n3A_241 : vector<1024x128xf32>
    %max3A_244 = arith.maximumf %max3A_233, %min3A_242 : vector<1024x128xf32>
    %slice3A_245 = vector.extract_strided_slice %get3A_37 {offsets = [0, 2432], sizes = [1, 128], strides = [1, 1]} : vector<1x4096xf32> to vector<1x128xf32>
    %eq3A_246 = vector.broadcast %get3A_40 : vector<1024x1xf32> to vector<1024x128xf32>
    %eq3A_247 = vector.broadcast %slice3A_245 : vector<1x128xf32> to vector<1024x128xf32>
    %eq3A_248 = arith.cmpf oeq, %eq3A_246, %eq3A_247 : vector<1024x128xf32>
    %slice3A_249 = vector.extract_strided_slice %dot_general3A_34 {offsets = [0, 2432], sizes = [1024, 128], strides = [1, 1]} : vector<1024x4096xf32> to vector<1024x128xf32>
    %jit3A_250 = arith.constant -1.000000e+30 : f32
    %broadcast_in_dim3A_251 = vector.broadcast %jit3A_250 : f32 to vector<1024x128xf32>
    %select_n3A_252 = arith.select %eq3A_248, %broadcast_in_dim3A_251, %slice3A_249 : vector<1024x128xi1>, vector<1024x128xf32>
    %min3A_253 = arith.minimumf %max3A_243, %select_n3A_252 : vector<1024x128xf32>
    %max3A_254 = arith.maximumf %max3A_243, %select_n3A_252 : vector<1024x128xf32>
    %max3A_255 = arith.maximumf %max3A_244, %min3A_253 : vector<1024x128xf32>
    %slice3A_256 = vector.extract_strided_slice %get3A_37 {offsets = [0, 2560], sizes = [1, 128], strides = [1, 1]} : vector<1x4096xf32> to vector<1x128xf32>
    %eq3A_257 = vector.broadcast %get3A_40 : vector<1024x1xf32> to vector<1024x128xf32>
    %eq3A_258 = vector.broadcast %slice3A_256 : vector<1x128xf32> to vector<1024x128xf32>
    %eq3A_259 = arith.cmpf oeq, %eq3A_257, %eq3A_258 : vector<1024x128xf32>
    %slice3A_260 = vector.extract_strided_slice %dot_general3A_34 {offsets = [0, 2560], sizes = [1024, 128], strides = [1, 1]} : vector<1024x4096xf32> to vector<1024x128xf32>
    %jit3A_261 = arith.constant -1.000000e+30 : f32
    %broadcast_in_dim3A_262 = vector.broadcast %jit3A_261 : f32 to vector<1024x128xf32>
    %select_n3A_263 = arith.select %eq3A_259, %broadcast_in_dim3A_262, %slice3A_260 : vector<1024x128xi1>, vector<1024x128xf32>
    %min3A_264 = arith.minimumf %max3A_254, %select_n3A_263 : vector<1024x128xf32>
    %max3A_265 = arith.maximumf %max3A_254, %select_n3A_263 : vector<1024x128xf32>
    %max3A_266 = arith.maximumf %max3A_255, %min3A_264 : vector<1024x128xf32>
    %slice3A_267 = vector.extract_strided_slice %get3A_37 {offsets = [0, 2688], sizes = [1, 128], strides = [1, 1]} : vector<1x4096xf32> to vector<1x128xf32>
    %eq3A_268 = vector.broadcast %get3A_40 : vector<1024x1xf32> to vector<1024x128xf32>
    %eq3A_269 = vector.broadcast %slice3A_267 : vector<1x128xf32> to vector<1024x128xf32>
    %eq3A_270 = arith.cmpf oeq, %eq3A_268, %eq3A_269 : vector<1024x128xf32>
    %slice3A_271 = vector.extract_strided_slice %dot_general3A_34 {offsets = [0, 2688], sizes = [1024, 128], strides = [1, 1]} : vector<1024x4096xf32> to vector<1024x128xf32>
    %jit3A_272 = arith.constant -1.000000e+30 : f32
    %broadcast_in_dim3A_273 = vector.broadcast %jit3A_272 : f32 to vector<1024x128xf32>
    %select_n3A_274 = arith.select %eq3A_270, %broadcast_in_dim3A_273, %slice3A_271 : vector<1024x128xi1>, vector<1024x128xf32>
    %min3A_275 = arith.minimumf %max3A_265, %select_n3A_274 : vector<1024x128xf32>
    %max3A_276 = arith.maximumf %max3A_265, %select_n3A_274 : vector<1024x128xf32>
    %max3A_277 = arith.maximumf %max3A_266, %min3A_275 : vector<1024x128xf32>
    %slice3A_278 = vector.extract_strided_slice %get3A_37 {offsets = [0, 2816], sizes = [1, 128], strides = [1, 1]} : vector<1x4096xf32> to vector<1x128xf32>
    %eq3A_279 = vector.broadcast %get3A_40 : vector<1024x1xf32> to vector<1024x128xf32>
    %eq3A_280 = vector.broadcast %slice3A_278 : vector<1x128xf32> to vector<1024x128xf32>
    %eq3A_281 = arith.cmpf oeq, %eq3A_279, %eq3A_280 : vector<1024x128xf32>
    %slice3A_282 = vector.extract_strided_slice %dot_general3A_34 {offsets = [0, 2816], sizes = [1024, 128], strides = [1, 1]} : vector<1024x4096xf32> to vector<1024x128xf32>
    %jit3A_283 = arith.constant -1.000000e+30 : f32
    %broadcast_in_dim3A_284 = vector.broadcast %jit3A_283 : f32 to vector<1024x128xf32>
    %select_n3A_285 = arith.select %eq3A_281, %broadcast_in_dim3A_284, %slice3A_282 : vector<1024x128xi1>, vector<1024x128xf32>
    %min3A_286 = arith.minimumf %max3A_276, %select_n3A_285 : vector<1024x128xf32>
    %max3A_287 = arith.maximumf %max3A_276, %select_n3A_285 : vector<1024x128xf32>
    %max3A_288 = arith.maximumf %max3A_277, %min3A_286 : vector<1024x128xf32>
    %slice3A_289 = vector.extract_strided_slice %get3A_37 {offsets = [0, 2944], sizes = [1, 128], strides = [1, 1]} : vector<1x4096xf32> to vector<1x128xf32>
    %eq3A_290 = vector.broadcast %get3A_40 : vector<1024x1xf32> to vector<1024x128xf32>
    %eq3A_291 = vector.broadcast %slice3A_289 : vector<1x128xf32> to vector<1024x128xf32>
    %eq3A_292 = arith.cmpf oeq, %eq3A_290, %eq3A_291 : vector<1024x128xf32>
    %slice3A_293 = vector.extract_strided_slice %dot_general3A_34 {offsets = [0, 2944], sizes = [1024, 128], strides = [1, 1]} : vector<1024x4096xf32> to vector<1024x128xf32>
    %jit3A_294 = arith.constant -1.000000e+30 : f32
    %broadcast_in_dim3A_295 = vector.broadcast %jit3A_294 : f32 to vector<1024x128xf32>
    %select_n3A_296 = arith.select %eq3A_292, %broadcast_in_dim3A_295, %slice3A_293 : vector<1024x128xi1>, vector<1024x128xf32>
    %min3A_297 = arith.minimumf %max3A_287, %select_n3A_296 : vector<1024x128xf32>
    %max3A_298 = arith.maximumf %max3A_287, %select_n3A_296 : vector<1024x128xf32>
    %max3A_299 = arith.maximumf %max3A_288, %min3A_297 : vector<1024x128xf32>
    %slice3A_300 = vector.extract_strided_slice %get3A_37 {offsets = [0, 3072], sizes = [1, 128], strides = [1, 1]} : vector<1x4096xf32> to vector<1x128xf32>
    %eq3A_301 = vector.broadcast %get3A_40 : vector<1024x1xf32> to vector<1024x128xf32>
    %eq3A_302 = vector.broadcast %slice3A_300 : vector<1x128xf32> to vector<1024x128xf32>
    %eq3A_303 = arith.cmpf oeq, %eq3A_301, %eq3A_302 : vector<1024x128xf32>
    %slice3A_304 = vector.extract_strided_slice %dot_general3A_34 {offsets = [0, 3072], sizes = [1024, 128], strides = [1, 1]} : vector<1024x4096xf32> to vector<1024x128xf32>
    %jit3A_305 = arith.constant -1.000000e+30 : f32
    %broadcast_in_dim3A_306 = vector.broadcast %jit3A_305 : f32 to vector<1024x128xf32>
    %select_n3A_307 = arith.select %eq3A_303, %broadcast_in_dim3A_306, %slice3A_304 : vector<1024x128xi1>, vector<1024x128xf32>
    %min3A_308 = arith.minimumf %max3A_298, %select_n3A_307 : vector<1024x128xf32>
    %max3A_309 = arith.maximumf %max3A_298, %select_n3A_307 : vector<1024x128xf32>
    %max3A_310 = arith.maximumf %max3A_299, %min3A_308 : vector<1024x128xf32>
    %slice3A_311 = vector.extract_strided_slice %get3A_37 {offsets = [0, 3200], sizes = [1, 128], strides = [1, 1]} : vector<1x4096xf32> to vector<1x128xf32>
    %eq3A_312 = vector.broadcast %get3A_40 : vector<1024x1xf32> to vector<1024x128xf32>
    %eq3A_313 = vector.broadcast %slice3A_311 : vector<1x128xf32> to vector<1024x128xf32>
    %eq3A_314 = arith.cmpf oeq, %eq3A_312, %eq3A_313 : vector<1024x128xf32>
    %slice3A_315 = vector.extract_strided_slice %dot_general3A_34 {offsets = [0, 3200], sizes = [1024, 128], strides = [1, 1]} : vector<1024x4096xf32> to vector<1024x128xf32>
    %jit3A_316 = arith.constant -1.000000e+30 : f32
    %broadcast_in_dim3A_317 = vector.broadcast %jit3A_316 : f32 to vector<1024x128xf32>
    %select_n3A_318 = arith.select %eq3A_314, %broadcast_in_dim3A_317, %slice3A_315 : vector<1024x128xi1>, vector<1024x128xf32>
    %min3A_319 = arith.minimumf %max3A_309, %select_n3A_318 : vector<1024x128xf32>
    %max3A_320 = arith.maximumf %max3A_309, %select_n3A_318 : vector<1024x128xf32>
    %max3A_321 = arith.maximumf %max3A_310, %min3A_319 : vector<1024x128xf32>
    %slice3A_322 = vector.extract_strided_slice %get3A_37 {offsets = [0, 3328], sizes = [1, 128], strides = [1, 1]} : vector<1x4096xf32> to vector<1x128xf32>
    %eq3A_323 = vector.broadcast %get3A_40 : vector<1024x1xf32> to vector<1024x128xf32>
    %eq3A_324 = vector.broadcast %slice3A_322 : vector<1x128xf32> to vector<1024x128xf32>
    %eq3A_325 = arith.cmpf oeq, %eq3A_323, %eq3A_324 : vector<1024x128xf32>
    %slice3A_326 = vector.extract_strided_slice %dot_general3A_34 {offsets = [0, 3328], sizes = [1024, 128], strides = [1, 1]} : vector<1024x4096xf32> to vector<1024x128xf32>
    %jit3A_327 = arith.constant -1.000000e+30 : f32
    %broadcast_in_dim3A_328 = vector.broadcast %jit3A_327 : f32 to vector<1024x128xf32>
    %select_n3A_329 = arith.select %eq3A_325, %broadcast_in_dim3A_328, %slice3A_326 : vector<1024x128xi1>, vector<1024x128xf32>
    %min3A_330 = arith.minimumf %max3A_320, %select_n3A_329 : vector<1024x128xf32>
    %max3A_331 = arith.maximumf %max3A_320, %select_n3A_329 : vector<1024x128xf32>
    %max3A_332 = arith.maximumf %max3A_321, %min3A_330 : vector<1024x128xf32>
    %slice3A_333 = vector.extract_strided_slice %get3A_37 {offsets = [0, 3456], sizes = [1, 128], strides = [1, 1]} : vector<1x4096xf32> to vector<1x128xf32>
    %eq3A_334 = vector.broadcast %get3A_40 : vector<1024x1xf32> to vector<1024x128xf32>
    %eq3A_335 = vector.broadcast %slice3A_333 : vector<1x128xf32> to vector<1024x128xf32>
    %eq3A_336 = arith.cmpf oeq, %eq3A_334, %eq3A_335 : vector<1024x128xf32>
    %slice3A_337 = vector.extract_strided_slice %dot_general3A_34 {offsets = [0, 3456], sizes = [1024, 128], strides = [1, 1]} : vector<1024x4096xf32> to vector<1024x128xf32>
    %jit3A_338 = arith.constant -1.000000e+30 : f32
    %broadcast_in_dim3A_339 = vector.broadcast %jit3A_338 : f32 to vector<1024x128xf32>
    %select_n3A_340 = arith.select %eq3A_336, %broadcast_in_dim3A_339, %slice3A_337 : vector<1024x128xi1>, vector<1024x128xf32>
    %min3A_341 = arith.minimumf %max3A_331, %select_n3A_340 : vector<1024x128xf32>
    %max3A_342 = arith.maximumf %max3A_331, %select_n3A_340 : vector<1024x128xf32>
    %max3A_343 = arith.maximumf %max3A_332, %min3A_341 : vector<1024x128xf32>
    %slice3A_344 = vector.extract_strided_slice %get3A_37 {offsets = [0, 3584], sizes = [1, 128], strides = [1, 1]} : vector<1x4096xf32> to vector<1x128xf32>
    %eq3A_345 = vector.broadcast %get3A_40 : vector<1024x1xf32> to vector<1024x128xf32>
    %eq3A_346 = vector.broadcast %slice3A_344 : vector<1x128xf32> to vector<1024x128xf32>
    %eq3A_347 = arith.cmpf oeq, %eq3A_345, %eq3A_346 : vector<1024x128xf32>
    %slice3A_348 = vector.extract_strided_slice %dot_general3A_34 {offsets = [0, 3584], sizes = [1024, 128], strides = [1, 1]} : vector<1024x4096xf32> to vector<1024x128xf32>
    %jit3A_349 = arith.constant -1.000000e+30 : f32
    %broadcast_in_dim3A_350 = vector.broadcast %jit3A_349 : f32 to vector<1024x128xf32>
    %select_n3A_351 = arith.select %eq3A_347, %broadcast_in_dim3A_350, %slice3A_348 : vector<1024x128xi1>, vector<1024x128xf32>
    %min3A_352 = arith.minimumf %max3A_342, %select_n3A_351 : vector<1024x128xf32>
    %max3A_353 = arith.maximumf %max3A_342, %select_n3A_351 : vector<1024x128xf32>
    %max3A_354 = arith.maximumf %max3A_343, %min3A_352 : vector<1024x128xf32>
    %slice3A_355 = vector.extract_strided_slice %get3A_37 {offsets = [0, 3712], sizes = [1, 128], strides = [1, 1]} : vector<1x4096xf32> to vector<1x128xf32>
    %eq3A_356 = vector.broadcast %get3A_40 : vector<1024x1xf32> to vector<1024x128xf32>
    %eq3A_357 = vector.broadcast %slice3A_355 : vector<1x128xf32> to vector<1024x128xf32>
    %eq3A_358 = arith.cmpf oeq, %eq3A_356, %eq3A_357 : vector<1024x128xf32>
    %slice3A_359 = vector.extract_strided_slice %dot_general3A_34 {offsets = [0, 3712], sizes = [1024, 128], strides = [1, 1]} : vector<1024x4096xf32> to vector<1024x128xf32>
    %jit3A_360 = arith.constant -1.000000e+30 : f32
    %broadcast_in_dim3A_361 = vector.broadcast %jit3A_360 : f32 to vector<1024x128xf32>
    %select_n3A_362 = arith.select %eq3A_358, %broadcast_in_dim3A_361, %slice3A_359 : vector<1024x128xi1>, vector<1024x128xf32>
    %min3A_363 = arith.minimumf %max3A_353, %select_n3A_362 : vector<1024x128xf32>
    %max3A_364 = arith.maximumf %max3A_353, %select_n3A_362 : vector<1024x128xf32>
    %max3A_365 = arith.maximumf %max3A_354, %min3A_363 : vector<1024x128xf32>
    %slice3A_366 = vector.extract_strided_slice %get3A_37 {offsets = [0, 3840], sizes = [1, 128], strides = [1, 1]} : vector<1x4096xf32> to vector<1x128xf32>
    %eq3A_367 = vector.broadcast %get3A_40 : vector<1024x1xf32> to vector<1024x128xf32>
    %eq3A_368 = vector.broadcast %slice3A_366 : vector<1x128xf32> to vector<1024x128xf32>
    %eq3A_369 = arith.cmpf oeq, %eq3A_367, %eq3A_368 : vector<1024x128xf32>
    %slice3A_370 = vector.extract_strided_slice %dot_general3A_34 {offsets = [0, 3840], sizes = [1024, 128], strides = [1, 1]} : vector<1024x4096xf32> to vector<1024x128xf32>
    %jit3A_371 = arith.constant -1.000000e+30 : f32
    %broadcast_in_dim3A_372 = vector.broadcast %jit3A_371 : f32 to vector<1024x128xf32>
    %select_n3A_373 = arith.select %eq3A_369, %broadcast_in_dim3A_372, %slice3A_370 : vector<1024x128xi1>, vector<1024x128xf32>
    %min3A_374 = arith.minimumf %max3A_364, %select_n3A_373 : vector<1024x128xf32>
    %max3A_375 = arith.maximumf %max3A_364, %select_n3A_373 : vector<1024x128xf32>
    %max3A_376 = arith.maximumf %max3A_365, %min3A_374 : vector<1024x128xf32>
    %slice3A_377 = vector.extract_strided_slice %get3A_37 {offsets = [0, 3968], sizes = [1, 128], strides = [1, 1]} : vector<1x4096xf32> to vector<1x128xf32>
    %eq3A_378 = vector.broadcast %get3A_40 : vector<1024x1xf32> to vector<1024x128xf32>
    %eq3A_379 = vector.broadcast %slice3A_377 : vector<1x128xf32> to vector<1024x128xf32>
    %eq3A_380 = arith.cmpf oeq, %eq3A_378, %eq3A_379 : vector<1024x128xf32>
    %slice3A_381 = vector.extract_strided_slice %dot_general3A_34 {offsets = [0, 3968], sizes = [1024, 128], strides = [1, 1]} : vector<1024x4096xf32> to vector<1024x128xf32>
    %jit3A_382 = arith.constant -1.000000e+30 : f32
    %broadcast_in_dim3A_383 = vector.broadcast %jit3A_382 : f32 to vector<1024x128xf32>
    %select_n3A_384 = arith.select %eq3A_380, %broadcast_in_dim3A_383, %slice3A_381 : vector<1024x128xi1>, vector<1024x128xf32>
    %min3A_385 = arith.minimumf %max3A_375, %select_n3A_384 : vector<1024x128xf32>
    %max3A_386 = arith.maximumf %max3A_375, %select_n3A_384 : vector<1024x128xf32>
    %max3A_387 = arith.maximumf %max3A_376, %min3A_385 : vector<1024x128xf32>
    %concatenate3A = tpu.concatenate %max3A_386, %max3A_387 in 1 : vector<1024x128xf32>, vector<1024x128xf32> -> vector<1024x256xf32>
    %reduce_max3A = arith.constant dense<0xFF800000> : vector<1024xf32>
    %reduce_max3A_388 = vector.multi_reduction <maximumf>, %concatenate3A, %reduce_max3A [1] : vector<1024x256xf32> to vector<1024xf32>
    %broadcast_in_dim3A_389 = vector.shape_cast %reduce_max3A_388 : vector<1024xf32> to vector<1024x1xf32>
    %lt3A = vector.broadcast %broadcast_in_dim3A_389 : vector<1024x1xf32> to vector<1024x256xf32>
    %lt3A_390 = arith.cmpf olt, %concatenate3A, %lt3A : vector<1024x256xf32>
    %jit3A_391 = arith.constant -1.000000e+30 : f32
    %broadcast_in_dim3A_392 = vector.broadcast %jit3A_391 : f32 to vector<1024x256xf32>
    %select_n3A_393 = arith.select %lt3A_390, %concatenate3A, %broadcast_in_dim3A_392 : vector<1024x256xi1>, vector<1024x256xf32>
    %reduce_max3A_394 = arith.constant dense<0xFF800000> : vector<1024xf32>
    %reduce_max3A_395 = vector.multi_reduction <maximumf>, %select_n3A_393, %reduce_max3A_394 [1] : vector<1024x256xf32> to vector<1024xf32>
    %broadcast_in_dim3A_396 = vector.shape_cast %reduce_max3A_395 : vector<1024xf32> to vector<1024x1xf32>
    %lt3A_397 = vector.broadcast %broadcast_in_dim3A_396 : vector<1024x1xf32> to vector<1024x256xf32>
    %lt3A_398 = arith.cmpf olt, %concatenate3A, %lt3A_397 : vector<1024x256xf32>
    %jit3A_399 = arith.constant -1.000000e+30 : f32
    %broadcast_in_dim3A_400 = vector.broadcast %jit3A_399 : f32 to vector<1024x256xf32>
    %select_n3A_401 = arith.select %lt3A_398, %concatenate3A, %broadcast_in_dim3A_400 : vector<1024x256xi1>, vector<1024x256xf32>
    %reduce_max3A_402 = arith.constant dense<0xFF800000> : vector<1024xf32>
    %reduce_max3A_403 = vector.multi_reduction <maximumf>, %select_n3A_401, %reduce_max3A_402 [1] : vector<1024x256xf32> to vector<1024xf32>
    %broadcast_in_dim3A_404 = vector.shape_cast %reduce_max3A_403 : vector<1024xf32> to vector<1024x1xf32>
    %lt3A_405 = vector.broadcast %broadcast_in_dim3A_404 : vector<1024x1xf32> to vector<1024x256xf32>
    %lt3A_406 = arith.cmpf olt, %concatenate3A, %lt3A_405 : vector<1024x256xf32>
    %jit3A_407 = arith.constant -1.000000e+30 : f32
    %broadcast_in_dim3A_408 = vector.broadcast %jit3A_407 : f32 to vector<1024x256xf32>
    %select_n3A_409 = arith.select %lt3A_406, %concatenate3A, %broadcast_in_dim3A_408 : vector<1024x256xi1>, vector<1024x256xf32>
    %reduce_max3A_410 = arith.constant dense<0xFF800000> : vector<1024xf32>
    %reduce_max3A_411 = vector.multi_reduction <maximumf>, %select_n3A_409, %reduce_max3A_410 [1] : vector<1024x256xf32> to vector<1024xf32>
    %broadcast_in_dim3A_412 = vector.shape_cast %reduce_max3A_411 : vector<1024xf32> to vector<1024x1xf32>
    %lt3A_413 = vector.broadcast %broadcast_in_dim3A_412 : vector<1024x1xf32> to vector<1024x256xf32>
    %lt3A_414 = arith.cmpf olt, %concatenate3A, %lt3A_413 : vector<1024x256xf32>
    %jit3A_415 = arith.constant -1.000000e+30 : f32
    %broadcast_in_dim3A_416 = vector.broadcast %jit3A_415 : f32 to vector<1024x256xf32>
    %select_n3A_417 = arith.select %lt3A_414, %concatenate3A, %broadcast_in_dim3A_416 : vector<1024x256xi1>, vector<1024x256xf32>
    %reduce_max3A_418 = arith.constant dense<0xFF800000> : vector<1024xf32>
    %reduce_max3A_419 = vector.multi_reduction <maximumf>, %select_n3A_417, %reduce_max3A_418 [1] : vector<1024x256xf32> to vector<1024xf32>
    %broadcast_in_dim3A_420 = vector.shape_cast %reduce_max3A_419 : vector<1024xf32> to vector<1024x1xf32>
    %lt3A_421 = vector.broadcast %broadcast_in_dim3A_420 : vector<1024x1xf32> to vector<1024x256xf32>
    %lt3A_422 = arith.cmpf olt, %concatenate3A, %lt3A_421 : vector<1024x256xf32>
    %jit3A_423 = arith.constant -1.000000e+30 : f32
    %broadcast_in_dim3A_424 = vector.broadcast %jit3A_423 : f32 to vector<1024x256xf32>
    %select_n3A_425 = arith.select %lt3A_422, %concatenate3A, %broadcast_in_dim3A_424 : vector<1024x256xi1>, vector<1024x256xf32>
    %reduce_max3A_426 = arith.constant dense<0xFF800000> : vector<1024xf32>
    %reduce_max3A_427 = vector.multi_reduction <maximumf>, %select_n3A_425, %reduce_max3A_426 [1] : vector<1024x256xf32> to vector<1024xf32>
    %broadcast_in_dim3A_428 = vector.shape_cast %reduce_max3A_427 : vector<1024xf32> to vector<1024x1xf32>
    %lt3A_429 = vector.broadcast %broadcast_in_dim3A_428 : vector<1024x1xf32> to vector<1024x256xf32>
    %lt3A_430 = arith.cmpf olt, %concatenate3A, %lt3A_429 : vector<1024x256xf32>
    %jit3A_431 = arith.constant -1.000000e+30 : f32
    %broadcast_in_dim3A_432 = vector.broadcast %jit3A_431 : f32 to vector<1024x256xf32>
    %select_n3A_433 = arith.select %lt3A_430, %concatenate3A, %broadcast_in_dim3A_432 : vector<1024x256xi1>, vector<1024x256xf32>
    %reduce_max3A_434 = arith.constant dense<0xFF800000> : vector<1024xf32>
    %reduce_max3A_435 = vector.multi_reduction <maximumf>, %select_n3A_433, %reduce_max3A_434 [1] : vector<1024x256xf32> to vector<1024xf32>
    %broadcast_in_dim3A_436 = vector.shape_cast %reduce_max3A_435 : vector<1024xf32> to vector<1024x1xf32>
    %lt3A_437 = vector.broadcast %broadcast_in_dim3A_436 : vector<1024x1xf32> to vector<1024x256xf32>
    %lt3A_438 = arith.cmpf olt, %concatenate3A, %lt3A_437 : vector<1024x256xf32>
    %jit3A_439 = arith.constant -1.000000e+30 : f32
    %broadcast_in_dim3A_440 = vector.broadcast %jit3A_439 : f32 to vector<1024x256xf32>
    %select_n3A_441 = arith.select %lt3A_438, %concatenate3A, %broadcast_in_dim3A_440 : vector<1024x256xi1>, vector<1024x256xf32>
    %reduce_max3A_442 = arith.constant dense<0xFF800000> : vector<1024xf32>
    %reduce_max3A_443 = vector.multi_reduction <maximumf>, %select_n3A_441, %reduce_max3A_442 [1] : vector<1024x256xf32> to vector<1024xf32>
    %broadcast_in_dim3A_444 = vector.shape_cast %reduce_max3A_443 : vector<1024xf32> to vector<1024x1xf32>
    %lt3A_445 = vector.broadcast %broadcast_in_dim3A_444 : vector<1024x1xf32> to vector<1024x256xf32>
    %lt3A_446 = arith.cmpf olt, %concatenate3A, %lt3A_445 : vector<1024x256xf32>
    %jit3A_447 = arith.constant -1.000000e+30 : f32
    %broadcast_in_dim3A_448 = vector.broadcast %jit3A_447 : f32 to vector<1024x256xf32>
    %select_n3A_449 = arith.select %lt3A_446, %concatenate3A, %broadcast_in_dim3A_448 : vector<1024x256xi1>, vector<1024x256xf32>
    %reduce_max3A_450 = arith.constant dense<0xFF800000> : vector<1024xf32>
    %reduce_max3A_451 = vector.multi_reduction <maximumf>, %select_n3A_449, %reduce_max3A_450 [1] : vector<1024x256xf32> to vector<1024xf32>
    %broadcast_in_dim3A_452 = vector.shape_cast %reduce_max3A_451 : vector<1024xf32> to vector<1024x1xf32>
    %lt3A_453 = vector.broadcast %broadcast_in_dim3A_452 : vector<1024x1xf32> to vector<1024x256xf32>
    %lt3A_454 = arith.cmpf olt, %concatenate3A, %lt3A_453 : vector<1024x256xf32>
    %jit3A_455 = arith.constant -1.000000e+30 : f32
    %broadcast_in_dim3A_456 = vector.broadcast %jit3A_455 : f32 to vector<1024x256xf32>
    %select_n3A_457 = arith.select %lt3A_454, %concatenate3A, %broadcast_in_dim3A_456 : vector<1024x256xi1>, vector<1024x256xf32>
    %reduce_max3A_458 = arith.constant dense<0xFF800000> : vector<1024xf32>
    %reduce_max3A_459 = vector.multi_reduction <maximumf>, %select_n3A_457, %reduce_max3A_458 [1] : vector<1024x256xf32> to vector<1024xf32>
    %broadcast_in_dim3A_460 = vector.shape_cast %reduce_max3A_459 : vector<1024xf32> to vector<1024x1xf32>
    %broadcast_in_dim3A_461 = arith.constant 0.000000e+00 : f32
    %broadcast_in_dim3A_462 = vector.broadcast %broadcast_in_dim3A_461 : f32 to vector<1024x1xf32>
    %exp3A = math.exp %broadcast_in_dim3A_389 : vector<1024x1xf32>
    %add3A = arith.addf %broadcast_in_dim3A_462, %exp3A : vector<1024x1xf32>
    %exp3A_463 = math.exp %broadcast_in_dim3A_396 : vector<1024x1xf32>
    %add3A_464 = arith.addf %add3A, %exp3A_463 : vector<1024x1xf32>
    %exp3A_465 = math.exp %broadcast_in_dim3A_404 : vector<1024x1xf32>
    %add3A_466 = arith.addf %add3A_464, %exp3A_465 : vector<1024x1xf32>
    %exp3A_467 = math.exp %broadcast_in_dim3A_412 : vector<1024x1xf32>
    %add3A_468 = arith.addf %add3A_466, %exp3A_467 : vector<1024x1xf32>
    %exp3A_469 = math.exp %broadcast_in_dim3A_420 : vector<1024x1xf32>
    %add3A_470 = arith.addf %add3A_468, %exp3A_469 : vector<1024x1xf32>
    %exp3A_471 = math.exp %broadcast_in_dim3A_428 : vector<1024x1xf32>
    %add3A_472 = arith.addf %add3A_470, %exp3A_471 : vector<1024x1xf32>
    %exp3A_473 = math.exp %broadcast_in_dim3A_436 : vector<1024x1xf32>
    %add3A_474 = arith.addf %add3A_472, %exp3A_473 : vector<1024x1xf32>
    %exp3A_475 = math.exp %broadcast_in_dim3A_444 : vector<1024x1xf32>
    %add3A_476 = arith.addf %add3A_474, %exp3A_475 : vector<1024x1xf32>
    %exp3A_477 = math.exp %broadcast_in_dim3A_452 : vector<1024x1xf32>
    %add3A_478 = arith.addf %add3A_476, %exp3A_477 : vector<1024x1xf32>
    %exp3A_479 = math.exp %broadcast_in_dim3A_460 : vector<1024x1xf32>
    %add3A_480 = arith.addf %add3A_478, %exp3A_479 : vector<1024x1xf32>
    %exp3A_481 = math.exp %mul3A_27 : vector<1024x1xf32>
    %add3A_482 = arith.addf %exp3A_481, %add3A_480 : vector<1024x1xf32>
    %add3A_483 = arith.constant 9.99999993E-9 : f32
    %add3A_484 = vector.broadcast %add3A_483 : f32 to vector<1024x1xf32>
    %add3A_485 = arith.addf %add3A_482, %add3A_484 : vector<1024x1xf32>
    %div3A_486 = arith.divf %exp3A_481, %add3A_485 : vector<1024x1xf32>
    %log3A = math.log %div3A_486 : vector<1024x1xf32>
    %neg3A = arith.constant 0.000000e+00 : f32
    %neg3A_487 = vector.broadcast %neg3A : f32 to vector<1024x1xf32>
    %neg3A_488 = arith.subf %neg3A_487, %log3A : vector<1024x1xf32>
    %get3A_489 = arith.constant 0 : index
    %get3A_490 = arith.constant 0 : index
    %get3A_491 = vector.load %arg6[%get3A_489, %get3A_490] : memref<1x1xf32, #tpu.memory_space<vmem>>, vector<1x1xf32>
    %reduce_sum3A_492 = vector.shape_cast %neg3A_488 : vector<1024x1xf32> to vector<1x1024x1xf32>
    %reduce_sum3A_493 = arith.constant dense<0.000000e+00> : vector<1xf32>
    %reduce_sum3A_494 = vector.multi_reduction <add>, %reduce_sum3A_492, %reduce_sum3A_493 [1, 2] : vector<1x1024x1xf32> to vector<1xf32>
    %reduce_sum3A_495 = vector.shape_cast %reduce_sum3A_494 : vector<1xf32> to vector<1x1x1xf32>
    %reduce_sum3A_496 = vector.extract %reduce_sum3A_495[0, 0, 0] : f32 from vector<1x1x1xf32>
    %reshape3A = vector.broadcast %reduce_sum3A_496 : f32 to vector<1x1xf32>
    %mul3A_497 = arith.constant 1.52587891E-5 : f32
    %mul3A_498 = vector.broadcast %mul3A_497 : f32 to vector<1x1xf32>
    %mul3A_499 = arith.mulf %reshape3A, %mul3A_498 : vector<1x1xf32>
    %add3A_500 = arith.addf %get3A_491, %mul3A_499 : vector<1x1xf32>
    %swap3A = arith.constant 0 : index
    %swap3A_501 = arith.constant 0 : index
    %swap3A_502 = vector.load %arg6[%swap3A, %swap3A_501] : memref<1x1xf32, #tpu.memory_space<vmem>>, vector<1x1xf32>
    tpu.vector_store %arg6[%swap3A, %swap3A_501], %add3A_500 {strides = array<i32>} : memref<1x1xf32, #tpu.memory_space<vmem>>, vector<1x1xf32>,
    return
  }
  func.func @transform_0(%arg0: i32) -> (i32, i32) {
    %c0_i32 = arith.constant 0 : i32
    %c0_i32_0 = arith.constant 0 : i32
    %c0_i32_1 = arith.constant 0 : i32
    return %c0_i32, %c0_i32_0 : i32, i32
  }
  func.func @transform_1(%arg0: i32) -> (i32, i32) {
    %c0_i32 = arith.constant 0 : i32
    %c0_i32_0 = arith.constant 0 : i32
    return %arg0, %c0_i32 : i32, i32
  }
  func.func @transform_2(%arg0: i32) -> (i32, i32) {
    %c0_i32 = arith.constant 0 : i32
    %c0_i32_0 = arith.constant 0 : i32
    return %arg0, %c0_i32 : i32, i32
  }
  func.func @transform_3(%arg0: i32) -> (i32, i32) {
    %c0_i32 = arith.constant 0 : i32
    %c0_i32_0 = arith.constant 0 : i32
    return %arg0, %c0_i32 : i32, i32
  }
  func.func @transform_4(%arg0: i32) -> (i32, i32) {
    %c0_i32 = arith.constant 0 : i32
    %c0_i32_0 = arith.constant 0 : i32
    %c0_i32_1 = arith.constant 0 : i32
    return %c0_i32, %c0_i32_0 : i32, i32
  }
  func.func @transform_5(%arg0: i32) -> (i32, i32) {
    %c0_i32 = arith.constant 0 : i32
    %c0_i32_0 = arith.constant 0 : i32
    %c0_i32_1 = arith.constant 0 : i32
    return %c0_i32, %c0_i32_0 : i32, i32
  }
}

</mosaic_0001>

<sc_bundles>
// kernel: kernel.4.cloned.1.call-start
scs
__scs_entry_jumppad:
0x0: {  	(pc) =	sbr.rel $0x88, $3  }
0x1: {  	(tag) =	ssettag $0x0;
	lr =	simm.s32 $0x1  }
0x2: {  	[smem:$0x3F9D] =	sst lr;
	_ =	strace $0xD0000000  }
0x3: {  	_ = 	snop  }
0x4: {  	_ = 	snop  }
0x5: {  	_ = 	snop  }
0x6: {  	_ = 	snop  }
0x7: {  	_ = 	snop  }
__scs_overlays_trampoline_lowered:
0x8: {  	[smem:$0x3FAC] =	sst s0  }
0x9: {  	[smem:$0x3FAD] =	sst s1  }
0xa: {  	[smem:$0x3FAE] =	sst s2  }
0xb: {  	[smem:$0x3FAF] =	sst s3  }
0xc: {  	[smem:$0x3FB0] =	sst s4  }
0xd: {  	[smem:$0x3FB1] =	sst s5  }
0xe: {  	[smem:$0x3FB2] =	sst s6  }
0xf: {  	[smem:$0x3FB3] =	sst s7  }
0x10: {  	[smem:$0x3FB4] =	sst s8  }
0x11: {  	[smem:$0x3FB5] =	sst s9;
	s0 =	simm.s32 @!p0 $0x0  }
0x12: {  	s1 =	sld [smem:$0x3F9B];
	s0 =	simm.s32 @p0 $0x1  }
0x13: {  	[smem:$0x3FB6] =	sst s0;
	s0 =	simm.s32 @!p1 $0x0  }
0x14: {  	s2 =	sld [smem:$0x3F9A];
	s0 =	simm.s32 @p1 $0x1  }
0x15: {  	[smem:$0x3FB7] =	sst s0;
	s0 =	simm.s32 @!p2 $0x0  }
0x16: {  	s3 =	sld [smem:$0x3FDB];
	s0 =	simm.s32 @p2 $0x1  }
0x17: {  	s4 =	simm.s32 $0x1BF5;
	[smem:$0x3FB9] =	sst s0  }
0x18: {  	s0 =	sld [smem:$0x3F9C];
	_ =	swait.ge [sflag:s4], $0x0  }
0x19: {  	s7 =	sld [smem:$0x3F9D]  }
0x1a: {  	s8 =	sadd.s32 $0xFFFFE003, lr  }
0x1b: {  	s9 =	sadd.s32 $0xFFFFFEF7, lr;
	s5 =	simm.s32 $0xFFFFFFFF;
	p2 =	slt.u32 s8, $0xFFFFF086  }
0x1c: {  	p1 =	slt.u32 s9, $0xF7A;
	s5 =	simm.s32 @!p2 $0x0  }
0x1d: {  	s5 =	simm.s32 @p1 $0x1;
	p0 =	seq.s32 s7, s2  }
0x1e: {  	s7 =	smul.u32 @!p0 $0xF7A, s2;
	p2 =	seq.s32 @!p0 s5, $0x0  }
0x1f: {  	s9 =	smul.u32 $0xF7A, s1;
	s8 =	simm.s32 @!p0 $0x1BF5;
	p2 =	por !p2, p0  }
0x20: {  	[sflag:s8] =	ssyncset.s32 @!p0 $0xFFFFF086;
	s6 =	sadd.s32 @!p0 s3, s7;
	s7 =	simm.s32 @!p0 $0x108  }
0x21: {  	s3 =	sadd.s32 s3, s9;
	s6 =	sadd.s32 @!p0 $0x88, s6;
	s7 =	simm.s32 @p2 $0x1082  }
0x22: {  	[simem:s7], [sflag:s8] =	dma.local @!p0 [hbm:s6], $0xF7A  }
0x23: {  	s9 =	sor.u32 $0xD0000000, s2;
	s6 =	simm.s32 $0x108;
	_ =	swait.ge @!p0 [sflag:s8], $0x0  }
0x24: {  	s3 =	sadd.s32 $0x88, s3;
	s6 =	simm.s32 @!p1 $0x1082;
	[sflag:s4] =	ssyncset.s32 $0xFFFFF086  }
0x25: {  	[simem:s6], [sflag:s4] =	dma.local [hbm:s3], $0xF7A  }
0x26: {  	[smem:$0x3F9D] =	sst s1;
	(tag) =	ssettag s2;
	_ =	strace s9  }
0x27: {  	s1 =	sld [smem:$0x3FAD]  }
0x28: {  	s2 =	sld [smem:$0x3FAE]  }
0x29: {  	s4 =	sld [smem:$0x3FB0]  }
0x2a: {  	p0 =	seq.s32 s5, $0x0;
	s5 =	sld [smem:$0x3FB1]  }
0x2b: {  	s6 =	sld [smem:$0x3FB2]  }
0x2c: {  	s7 =	sld [smem:$0x3FB3]  }
0x2d: {  	s3 =	simm.s32 $0x108;
	s8 =	sld [smem:$0x3FB4]  }
0x2e: {  	s3 =	simm.s32 @!p0 $0x1082;
	s9 =	sld [smem:$0x3FB5]  }
0x2f: {  	lr =	sadd.s32 s0, s3;
	s0 =	sld [smem:$0x3FAC]  }
0x30: {  	s3 =	sld [smem:$0x3FAF]  }
0x31: {  	[smem:$0x3FB8] =	sst s10  }
0x32: {  	s10 =	sld [smem:$0x3FB6];
	_ =	sdelay $0x3  }
0x33: {  	p0 =	seq.s32 s10, $0x1;
	s10 =	sld [smem:$0x3FB8];
	_ =	sdelay $0x3  }
0x34: {  	[smem:$0x3FB8] =	sst s10  }
0x35: {  	s10 =	sld [smem:$0x3FB7];
	_ =	sdelay $0x3  }
0x36: {  	p1 =	seq.s32 s10, $0x1;
	s10 =	sld [smem:$0x3FB8];
	_ =	sdelay $0x3  }
0x37: {  	[smem:$0x3FB8] =	sst s10  }
0x38: {  	s10 =	sld [smem:$0x3FB9]  }
0x39: {  	_ = 	snop;
	(pc) =	sbr.ind lr, $3  }
0x3a: {  	_ = 	snop  }
0x3b: {  	_ = 	snop  }
0x3c: {  	p2 =	seq.s32 s10, $0x1;
	s10 =	sld [smem:$0x3FB8]  }
0x3d: {  	_ =	shalt  }
0x3e: {  	_ =	shalt  }
0x3f: {  	_ =	shalt  }
0x40: {  	_ =	shalt  }
0x41: {  	_ =	shalt  }
0x42: {  	_ =	shalt  }
0x43: {  	_ =	shalt  }
0x44: {  	_ =	shalt  }
0x45: {  	_ =	shalt  }
0x46: {  	_ =	shalt  }
0x47: {  	_ =	shalt  }
0x48: {  	_ =	shalt  }
0x49: {  	_ =	shalt  }
0x4a: {  	_ =	shalt  }
0x4b: {  	_ =	shalt  }
0x4c: {  	_ =	shalt  }
0x4d: {  	_ =	shalt  }
0x4e: {  	_ =	shalt  }
0x4f: {  	_ =	shalt  }
0x50: {  	_ =	shalt  }
0x51: {  	_ =	shalt  }
0x52: {  	_ =	shalt  }
0x53: {  	_ =	shalt  }
0x54: {  	_ =	shalt  }
0x55: {  	_ =	shalt  }
0x56: {  	_ =	shalt  }
0x57: {  	_ =	shalt  }
0x58: {  	_ =	shalt  }
0x59: {  	_ =	shalt  }
0x5a: {  	_ =	shalt  }
0x5b: {  	_ =	shalt  }
0x5c: {  	_ =	shalt  }
0x5d: {  	_ =	shalt  }
0x5e: {  	_ =	shalt  }
0x5f: {  	_ =	shalt  }
0x60: {  	_ =	shalt  }
0x61: {  	_ =	shalt  }
0x62: {  	_ =	shalt  }
0x63: {  	_ =	shalt  }
0x64: {  	_ =	shalt  }
0x65: {  	_ =	shalt  }
0x66: {  	_ =	shalt  }
0x67: {  	_ =	shalt  }
0x68: {  	_ =	shalt  }
0x69: {  	_ =	shalt  }
0x6a: {  	_ =	shalt  }
0x6b: {  	_ =	shalt  }
0x6c: {  	_ =	shalt  }
0x6d: {  	_ =	shalt  }
0x6e: {  	_ =	shalt  }
0x6f: {  	_ =	shalt  }
0x70: {  	_ =	shalt  }
0x71: {  	_ =	shalt  }
0x72: {  	_ =	shalt  }
0x73: {  	_ =	shalt  }
0x74: {  	_ =	shalt  }
0x75: {  	_ =	shalt  }
0x76: {  	_ =	shalt  }
0x77: {  	_ =	shalt  }
0x78: {  	_ =	shalt  }
0x79: {  	_ =	shalt  }
0x7a: {  	_ =	shalt  }
0x7b: {  	_ =	shalt  }
0x7c: {  	_ =	shalt  }
0x7d: {  	_ =	shalt  }
0x7e: {  	_ =	shalt  }
0x7f: {  	_ =	shalt  }
0x80: {  	_ =	shalt  }
0x81: {  	_ =	shalt  }
0x82: {  	_ =	shalt  }
0x83: {  	_ =	shalt  }
0x84: {  	_ =	shalt  }
0x85: {  	_ =	shalt  }
0x86: {  	_ =	shalt  }
0x87: {  	_ =	shalt  }
.Lfunc_end0:
.L_simem_size_0:
called_computation_lowered:
.L_overlay_start_0:
0x88: {  	s0 =	sld [smem:$0x3FD9]  }
0x89: {  	s1 =	sld [smem:$0x3FFE];
	_ =	sdelay $0x3  }
0x8a: {  	s0 =	sadd.s32 s1, s0  }
0x8b: {  	[smem:$0x3FC4] =	sst s0  }
0x8c: {  	_ = 	snop  }
0x8d: {  	s0 =	sld [smem:$0x3FC7]  }
0x8e: {  	s16 =	sld [smem:$0x3FC6];
	(tm) =	ssettm $0x1  }
0x8f: {  	s2 =	sld [smem:$0x3FFB];
	_ =	sdelay $0x3  }
0x90: {  	_ =	strace s2  }
0x91: {  	s2 =	sld [smem:$0x3FFC];
	_ =	sdelay $0x3  }
0x92: {  	_ =	strace s2  }
0x93: {  	s2 =	sld [smem:$0x3FFD];
	_ =	sdelay $0x3  }
0x94: {  	_ =	strace s2  }
0x95: {  	_ =	strace $0x8FFFFFFF  }
0x96: {  	s17 =	sld [smem:$0x3FDB];
	_ =	sdelay $0x1  }
0x97: {  	s3 =	simm.s32 $_scs_section_size  }
0x98: {  	s4 =	simm.s32 $_size__tile_overlayer_lowered;
	s5 =	simm.s32 $_tile_overlayer_lowered  }
0x99: {  	s20 =	simm.s32 $0x1BFF;
	s19 =	sshll.u32 s5, $0x1;
	s2 =	sadd.s32 s3, s17  }
0x9a: {  	s6 =	simm.s32 $0x0;
	s18 =	sshll.u32 s4, $0x1;
	s4 =	sadd.s32 s19, s2  }
0x9b: {  	[timem:s6], [sflag:s20] =	dma.local [hbm:s4], s18  }
0x9c: {  	_ =	swait.ge [sflag:s20], s18  }
0x9d: {  	s3 =	ssub.s32 $0x0, s18;
	[sflag:s20] =	ssyncset.done $0x0  }
0x9e: {  	[sflag:s20] =	ssyncadd.s32 s3;
	_ =	sdelay $0x1  }
0x9f: {  	s21 =	simm.s32 $0x1B8B  }
0xa0: {  	_ =	swait.ge [sflag:s21], $0x1  }
0xa1: {  	[sflag:s21] =	ssyncset.done $0x0  }
0xa2: {  	s23 =	simm.s32 $0x1B8E;
	s22 =	sld [smem:$0x3FFE];
	[sflag:s21] =	ssyncadd.s32 $0xFFFFFFFF  }
0xa3: {  	s24 =	simm.s32 $execute0_lowered;
	[smem:$0x3FD2] =	sst s23  }
0xa4: {  	s4 =	sshll.u32 s24, $0x1;
	_ =	strace $0x80000046;
	[dreg:$0x1] =	wrdreg $0xFFFFFFFF  }
0xa5: {  	s25 =	simm.s32 $_size_execute0_lowered;
	s2 =	sadd.s32 s2, s4;
	[dreg:$0x0] =	wrdreg $0x0  }
0xa6: {  	s4 =	sshll.u32 s25, $0x1;
	[dreg:$0x2] =	wrdreg s2  }
0xa7: {  	[dreg:$0x3] =	wrdreg s4  }
0xa8: {  	[dreg:$0x4] =	wrdreg $0xC0  }
0xa9: {  	_ =	task [dreg:s6], $0x5FFFF  }
0xaa: {  	[dreg:$0x1] =	wrdreg $0xFFFFFFFF  }
0xab: {  	[dreg:$0x0] =	wrdreg $0x60  }
0xac: {  	[dreg:$0x2] =	wrdreg s0  }
0xad: {  	[dreg:$0x3] =	wrdreg s16  }
0xae: {  	[dreg:$0x4] =	wrdreg s22  }
0xaf: {  	[dreg:$0x5] =	wrdreg $0x89800  }
0xb0: {  	[dreg:$0x6] =	wrdreg $0x9D800  }
0xb1: {  	[dreg:$0x7] =	wrdreg $0x9  }
0xb2: {  	_ =	task.clear_ibuf [dreg:s6], $0x8FFFF;
	_ =	strace $0x90000046  }
0xb3: {  	s26 =	simm.s32 $0x9;
	_ =	strace $0x80000048  }
0xb4: {  	_ =	swait.ge [sflag:s26], $0x1  }
0xb5: {  	[sflag:s26] =	ssyncadd.s32 $0xFFFFFFFF  }
0xb6: {  	_ =	strace $0x90000048  }
0xb7: {  	_ =	sfence  }
0xb8: {  	s28 =	sld [smem:$0x0];
	_ =	sdelay $0x1  }
0xb9: {  	s29 =	srdreg.scid  }
0xba: {  	s30 =	sshll.u32 s29, $0xD;
	s31 =	sshrl.u32 s29, $0x2  }
0xbb: {  	s1 =	sand.u32 $0x1, s29;
	s2 =	sand.u32 $0x4000, s30;
	s0 =	sadd.s32 s31, s28  }
0xbc: {  	s1 =	sor.u32 s2, s1;
	s0 =	sshll.u32 s0, $0x11  }
0xbd: {  	s0 =	sor.u32 s0, s1  }
0xbe: {  	s0 =	sadd.s32 $0x8F2B, s0  }
0xbf: {  	[sflag:s0] =	ssyncadd.remote.s32 $0x1  }
0xc0: {  	_ =	sfence.sel $0xFFFF  }
0xc1: {  	[dreg:$0x0] =	wrdreg $0xFFFFFFFF;
	(pc) =	sbr.abs _section_cstart, $3  }
0xc2: {  	[dreg:$0x1] =	wrdreg $0xFFFFFFFF  }
0xc3: {  	_ =	task.clear_ibuf [dreg:s6], $0x2FFFF;
	_ =	strace $0x9FFFFFFF  }
0xc4: {  	(tm) =	ssettm $0x7FFFFFFF  }
0xc5: {  	_ =	shalt  }
tec
execute0_lowered:
.L_overlay_start_1:
0x0: {  	(tag) =	ssettag $0x1  }
0x1: {  	s8 =	rddreg [dreg:$0x0]  }
0x2: {  	s10 =	rddreg [dreg:$0x1]  }
0x3: {  	s1 =	rddreg [dreg:$0x2]  }
0x4: {  	s9 =	rddreg [dreg:$0x3]  }
0x5: {  	s3 =	rddreg [dreg:$0x4]  }
0x6: {  	s0 =	rddreg [dreg:$0x5];
	s2 =	simm.s32 $0x0;
	s5 =	simm.s32 $0x40  }
0x7: {  	s11 =	simm.s32 $0x0;
	[smem:$0x7FF] =	sst s2;
	s4 =	sadd.s32 $0xC00, s1  }
0x8: {  	s7 =	sadd.s32 $0x8AC00, s1;
	s2 =	sadd.s32 $0x88C00, s1;
	_ =	strace $0x80000047  }
0x9: {  	v0 =	vimm.s32 $0x0;
	s6 =	sadd.s32 $0x8C00, s1;
	s1 =	stileid.u32;
	[bflag:$0x0] =	sbarrier.arrive $0xFFFF  }
.LBB2_1:
0xa: {  	p0 =	sne.s32 s5, $0x4FC0;
	[tilespmem:s11+$0x3080] =	vst v0;
	s11 =	smov.u32 s5;
	s5 =	sadd.s32 $0x40, s5  }
.Ltmp0:
0xb: {  	(pc) =	sbr.rel @p0 .LBB2_1-.Ltmp0, $2  }
0xc: {  	_ =	sdelay $0x2  }
0xd: {  	s11 =	sshra.s32 s11, $0x2  }
0xe: {  	s5 =	smul.u32 $0x5000, s1;
	_ =	sdelay $0x1  }
0xf: {  	s5 =	sshrl.u32 s5, $0x2  }
0x10: {  	[tilespmem:s11+$0x3080] =	vst v0;
	s25 =	simm.s32 $0x3080;
	s26 =	simm.s32 $0x3;
	s5 =	sadd.s32 s5, s9  }
0x11: {  	[spmem:s5] =	stream.linear.scatter [tilespmem:s25], [sflag:$0x3], $0x1400, $0x38;
	[tilespmem:$0x9E80] =	vst v63  }
0x12: {  	_ =	swait.ge [sflag:s26], $0x1400  }
0x13: {  	s5 =	sshll.u32 s1, $0x9;
	[sflag:s26] =	ssyncset.done $0x0  }
0x14: {  	s12 =	sadd.s32 s8, s5;
	s8 =	simm.s32 $0x0;
	[sflag:s26] =	ssyncadd.s32 $0xFFFFEC00  }
0x15: {  	[tilespmem:s8], [sflag:$0x3] =	stream.linear.gather [hbm4b:s12+s8], $0x1000, $0x38;
	[tilespmem:$0x9E80] =	vst v63  }
0x16: {  	_ =	swait.ge [sflag:s26], $0x1000  }
0x17: {  	[sflag:s26] =	ssyncset.done $0x0  }
0x18: {  	s28 =	simm.s32 $0x1000;
	s10 =	sadd.s32 s10, s5;
	[sflag:s26] =	ssyncadd.s32 $0xFFFFF000  }
0x19: {  	[tilespmem:s28], [sflag:$0x3] =	stream.linear.gather [hbm4b:s10+s8], $0x1000, $0x38;
	[tilespmem:$0x9E80] =	vst v63  }
0x1a: {  	_ =	swait.ge [sflag:s26], $0x1000  }
0x1b: {  	[sflag:s26] =	ssyncset.done $0x0  }
0x1c: {  	s29 =	simm.s32 $0x0;
	[sflag:s26] =	ssyncadd.s32 $0xFFFFF000  }
0x1d: {  	v63 =	vld [tilespmem:s29+$0x1000]  }
0x1e: {  	v1 =	vld [tilespmem:s29+$0x0];
	_ =	sdelay $0x2  }
0x1f: {  	s30 =	sand.u32 $0x3E00, s8  }
0x20: {  	s31 =	sand.u32 $0x70, s8;
	s10 =	sshrl.u32 s30, $0x2;
	v0 =	vshll.u32 v63, $0xC  }
0x21: {  	s13 =	sor.u32 s31, s10;
	v0 =	vadd.s32 v1, v0  }
0x22: {  	s11 =	simm.s32 $0x80;
	s12 =	simm.s32 $0x10;
	s10 =	simm.s32 $0x40;
	[tilespmem:s13+$0x2000] =	vst v0  }
.LBB2_3:
0x23: {  	p0 =	sne.s32 s11, $0x3FC0;
	v0 =	vld [tilespmem:s12+$0x1000]  }
0x24: {  	v1 =	vld [tilespmem:s12+$0x0];
	_ =	sdelay $0x1  }
.Ltmp1:
0x25: {  	(pc) =	sbr.rel @p0 .LBB2_3-.Ltmp1, $4  }
0x26: {  	s8 =	sadd.s32 $0x10, s8;
	s12 =	sand.u32 $0x3E00, s10;
	s10 =	smov.u32 s11  }
0x27: {  	s13 =	sand.u32 $0x70, s8;
	s12 =	sshrl.u32 s12, $0x2;
	v0 =	vshll.u32 v0, $0xC  }
0x28: {  	s13 =	sor.u32 s13, s12;
	v0 =	vadd.s32 v1, v0  }
0x29: {  	s11 =	sadd.s32 $0x40, s11;
	s12 =	sshra.s32 s10, $0x2;
	[tilespmem:s13+$0x2000] =	vst v0  }
0x2a: {  	v0 =	vld [tilespmem:s12+$0x1000]  }
0x2b: {  	v1 =	vld [tilespmem:s12+$0x0];
	_ =	sdelay $0x2  }
0x2c: {  	s10 =	sand.u32 $0x3E00, s10;
	s8 =	sadd.s32 $0x10, s8  }
0x2d: {  	s8 =	sand.u32 $0x70, s8;
	s10 =	sshrl.u32 s10, $0x2;
	v0 =	vshll.u32 v0, $0xC  }
0x2e: {  	s8 =	sor.u32 s8, s10;
	v0 =	vadd.s32 v1, v0  }
0x2f: {  	v63 =	vimm.s32 $0x1;
	[tilespmem:s8+$0x2000] =	vst v0  }
0x30: {  	[tilespmem:$0x3000] =	vst v63  }
0x31: {  	[tilespmem:$0x3010] =	vst v63  }
0x32: {  	[tilespmem:$0x3020] =	vst v63  }
0x33: {  	[tilespmem:$0x3030] =	vst v63  }
0x34: {  	[tilespmem:$0x3040] =	vst v63  }
0x35: {  	[tilespmem:$0x3050] =	vst v63  }
0x36: {  	[tilespmem:$0x3060] =	vst v63  }
0x37: {  	s11 =	simm.s32 $0x2000;
	[tilespmem:$0x3070] =	vst v63  }
0x38: {  	s10 =	simm.s32 $0x3000;
	s8 =	simm.s32 $0x80;
	[bflag:$0x0] =	sbarrier.arrive $0xFFFF  }
0x39: {  	[spmem:s9] =	stream.indirect.scatter.add.s32 [tilespmem:s10], [sflag:$0x3], $0x1, s11, s8, $0xb8;
	[tilespmem:$0x9E80] =	vst v63  }
0x3a: {  	s11 =	simm.s32 $0x3  }
0x3b: {  	s12 =	simm.s32 $0x200;
	_ =	swait.ge [sflag:s11], $0x80  }
.LBB2_5:
0x3c: {  	s13 =	sshra.s32 s12, $0x2;
	[sflag:s11] =	ssyncset.done $0x0;
	p0 =	sne.s32 s12, $0x3E00  }
.Ltmp2:
0x3d: {  	s13 =	sadd.s32 $0x2000, s13;
	[sflag:s11] =	ssyncadd.s32 $0xFFFFFF80;
	(pc) =	sbr.rel @p0 .LBB2_5-.Ltmp2, $3  }
0x3e: {  	[spmem:s9] =	stream.indirect.scatter.add.s32 [tilespmem:s10], [sflag:$0x3], $0x1, s13, s8, $0xb8;
	[tilespmem:$0x9E80] =	vst v63  }
0x3f: {  	s12 =	sadd.s32 $0x200, s12;
	_ =	sdelay $0x1  }
0x40: {  	_ =	swait.ge [sflag:s11], $0x80  }
0x41: {  	[sflag:s11] =	ssyncset.done $0x0  }
0x42: {  	s8 =	sshll.u32 s1, $0x8;
	s13 =	simm.s32 $0x4480;
	[sflag:s11] =	ssyncadd.s32 $0xFFFFFF80  }
0x43: {  	s10 =	sadd.s32 s8, s9;
	s9 =	simm.s32 $0x3;
	[bflag:$0x0] =	sbarrier.arrive $0xFFFF  }
0x44: {  	[tilespmem:s13], [sflag:$0x3] =	stream.linear.gather [spmem:s10], $0x100, $0x38;
	[tilespmem:$0x9E80] =	vst v63  }
0x45: {  	_ =	swait.ge [sflag:s9], $0x100  }
0x46: {  	[sflag:s9] =	ssyncset.done $0x0  }
0x47: {  	s12 =	simm.s32 $0x4580;
	s14 =	sadd.s32 $0x1000, s10;
	[sflag:s9] =	ssyncadd.s32 $0xFFFFFF00  }
0x48: {  	[tilespmem:s12], [sflag:$0x3] =	stream.linear.gather [spmem:s14], $0x100, $0x38;
	[tilespmem:$0x9E80] =	vst v63  }
0x49: {  	_ =	swait.ge [sflag:s9], $0x100  }
0x4a: {  	[sflag:s9] =	ssyncset.done $0x0  }
0x4b: {  	s16 =	simm.s32 $0x4680;
	s15 =	sadd.s32 $0x2000, s10;
	[sflag:s9] =	ssyncadd.s32 $0xFFFFFF00  }
0x4c: {  	[tilespmem:s16], [sflag:$0x3] =	stream.linear.gather [spmem:s15], $0x100, $0x38;
	[tilespmem:$0x9E80] =	vst v63  }
0x4d: {  	_ =	swait.ge [sflag:s9], $0x100  }
0x4e: {  	[sflag:s9] =	ssyncset.done $0x0  }
0x4f: {  	s18 =	simm.s32 $0x4780;
	s17 =	sadd.s32 $0x3000, s10;
	[sflag:s9] =	ssyncadd.s32 $0xFFFFFF00  }
0x50: {  	[tilespmem:s18], [sflag:$0x3] =	stream.linear.gather [spmem:s17], $0x100, $0x38;
	[tilespmem:$0x9E80] =	vst v63  }
0x51: {  	_ =	swait.ge [sflag:s9], $0x100  }
0x52: {  	[sflag:s9] =	ssyncset.done $0x0  }
0x53: {  	s20 =	simm.s32 $0x4880;
	s19 =	sadd.s32 $0x4000, s10;
	[sflag:s9] =	ssyncadd.s32 $0xFFFFFF00  }
0x54: {  	[tilespmem:s20], [sflag:$0x3] =	stream.linear.gather [spmem:s19], $0x100, $0x38;
	[tilespmem:$0x9E80] =	vst v63  }
0x55: {  	_ =	swait.ge [sflag:s9], $0x100  }
0x56: {  	[sflag:s9] =	ssyncset.done $0x0  }
0x57: {  	s22 =	simm.s32 $0x4980;
	s21 =	sadd.s32 $0x5000, s10;
	[sflag:s9] =	ssyncadd.s32 $0xFFFFFF00  }
0x58: {  	[tilespmem:s22], [sflag:$0x3] =	stream.linear.gather [spmem:s21], $0x100, $0x38;
	[tilespmem:$0x9E80] =	vst v63  }
0x59: {  	_ =	swait.ge [sflag:s9], $0x100  }
0x5a: {  	[sflag:s9] =	ssyncset.done $0x0  }
0x5b: {  	s24 =	simm.s32 $0x4A80;
	s23 =	sadd.s32 $0x6000, s10;
	[sflag:s9] =	ssyncadd.s32 $0xFFFFFF00  }
0x5c: {  	[tilespmem:s24], [sflag:$0x3] =	stream.linear.gather [spmem:s23], $0x100, $0x38;
	[tilespmem:$0x9E80] =	vst v63  }
0x5d: {  	_ =	swait.ge [sflag:s9], $0x100  }
0x5e: {  	[sflag:s9] =	ssyncset.done $0x0  }
0x5f: {  	s26 =	simm.s32 $0x4B80;
	s25 =	sadd.s32 $0x7000, s10;
	[sflag:s9] =	ssyncadd.s32 $0xFFFFFF00  }
0x60: {  	[tilespmem:s26], [sflag:$0x3] =	stream.linear.gather [spmem:s25], $0x100, $0x38;
	[tilespmem:$0x9E80] =	vst v63  }
0x61: {  	_ =	swait.ge [sflag:s9], $0x100  }
0x62: {  	[sflag:s9] =	ssyncset.done $0x0  }
0x63: {  	s29 =	simm.s32 $0x4C80;
	s28 =	sadd.s32 $0x8000, s10;
	[sflag:s9] =	ssyncadd.s32 $0xFFFFFF00  }
0x64: {  	[tilespmem:s29], [sflag:$0x3] =	stream.linear.gather [spmem:s28], $0x100, $0x38;
	[tilespmem:$0x9E80] =	vst v63  }
0x65: {  	_ =	swait.ge [sflag:s9], $0x100  }
0x66: {  	[sflag:s9] =	ssyncset.done $0x0  }
0x67: {  	s31 =	simm.s32 $0x4D80;
	s30 =	sadd.s32 $0x9000, s10;
	[sflag:s9] =	ssyncadd.s32 $0xFFFFFF00  }
0x68: {  	[tilespmem:s31], [sflag:$0x3] =	stream.linear.gather [spmem:s30], $0x100, $0x38;
	[tilespmem:$0x9E80] =	vst v63  }
0x69: {  	_ =	swait.ge [sflag:s9], $0x100  }
0x6a: {  	[sflag:s9] =	ssyncset.done $0x0  }
0x6b: {  	s13 =	simm.s32 $0x4E80;
	s12 =	sadd.s32 $0xA000, s10;
	[sflag:s9] =	ssyncadd.s32 $0xFFFFFF00  }
0x6c: {  	[tilespmem:s13], [sflag:$0x3] =	stream.linear.gather [spmem:s12], $0x100, $0x38;
	[tilespmem:$0x9E80] =	vst v63  }
0x6d: {  	_ =	swait.ge [sflag:s9], $0x100  }
0x6e: {  	[sflag:s9] =	ssyncset.done $0x0  }
0x6f: {  	s14 =	sadd.s32 $0xB000, s10;
	s15 =	simm.s32 $0x4F80;
	[sflag:s9] =	ssyncadd.s32 $0xFFFFFF00  }
0x70: {  	[tilespmem:s15], [sflag:$0x3] =	stream.linear.gather [spmem:s14], $0x100, $0x38;
	[tilespmem:$0x9E80] =	vst v63  }
0x71: {  	_ =	swait.ge [sflag:s9], $0x100  }
0x72: {  	[sflag:s9] =	ssyncset.done $0x0  }
0x73: {  	s16 =	sadd.s32 $0xC000, s10;
	s17 =	simm.s32 $0x5080;
	[sflag:s9] =	ssyncadd.s32 $0xFFFFFF00  }
0x74: {  	[tilespmem:s17], [sflag:$0x3] =	stream.linear.gather [spmem:s16], $0x100, $0x38;
	[tilespmem:$0x9E80] =	vst v63  }
0x75: {  	_ =	swait.ge [sflag:s9], $0x100  }
0x76: {  	[sflag:s9] =	ssyncset.done $0x0  }
0x77: {  	s18 =	sadd.s32 $0xD000, s10;
	s19 =	simm.s32 $0x5180;
	[sflag:s9] =	ssyncadd.s32 $0xFFFFFF00  }
0x78: {  	[tilespmem:s19], [sflag:$0x3] =	stream.linear.gather [spmem:s18], $0x100, $0x38;
	[tilespmem:$0x9E80] =	vst v63  }
0x79: {  	_ =	swait.ge [sflag:s9], $0x100  }
0x7a: {  	[sflag:s9] =	ssyncset.done $0x0  }
0x7b: {  	s20 =	sadd.s32 $0xE000, s10;
	s21 =	simm.s32 $0x5280;
	[sflag:s9] =	ssyncadd.s32 $0xFFFFFF00  }
0x7c: {  	[tilespmem:s21], [sflag:$0x3] =	stream.linear.gather [spmem:s20], $0x100, $0x38;
	[tilespmem:$0x9E80] =	vst v63  }
0x7d: {  	_ =	swait.ge [sflag:s9], $0x100  }
0x7e: {  	[sflag:s9] =	ssyncset.done $0x0  }
0x7f: {  	s22 =	sadd.s32 $0xF000, s10;
	s23 =	simm.s32 $0x5380;
	[sflag:s9] =	ssyncadd.s32 $0xFFFFFF00  }
0x80: {  	[tilespmem:s23], [sflag:$0x3] =	stream.linear.gather [spmem:s22], $0x100, $0x38;
	[tilespmem:$0x9E80] =	vst v63  }
0x81: {  	_ =	swait.ge [sflag:s9], $0x100  }
0x82: {  	[sflag:s9] =	ssyncset.done $0x0  }
0x83: {  	s24 =	sadd.s32 $0x10000, s10;
	s25 =	simm.s32 $0x5480;
	[sflag:s9] =	ssyncadd.s32 $0xFFFFFF00  }
0x84: {  	[tilespmem:s25], [sflag:$0x3] =	stream.linear.gather [spmem:s24], $0x100, $0x38;
	[tilespmem:$0x9E80] =	vst v63  }
0x85: {  	_ =	swait.ge [sflag:s9], $0x100  }
0x86: {  	[sflag:s9] =	ssyncset.done $0x0  }
0x87: {  	s26 =	sadd.s32 $0x11000, s10;
	s28 =	simm.s32 $0x5580;
	[sflag:s9] =	ssyncadd.s32 $0xFFFFFF00  }
0x88: {  	[tilespmem:s28], [sflag:$0x3] =	stream.linear.gather [spmem:s26], $0x100, $0x38;
	[tilespmem:$0x9E80] =	vst v63  }
0x89: {  	_ =	swait.ge [sflag:s9], $0x100  }
0x8a: {  	[sflag:s9] =	ssyncset.done $0x0  }
0x8b: {  	s29 =	sadd.s32 $0x12000, s10;
	s30 =	simm.s32 $0x5680;
	[sflag:s9] =	ssyncadd.s32 $0xFFFFFF00  }
0x8c: {  	[tilespmem:s30], [sflag:$0x3] =	stream.linear.gather [spmem:s29], $0x100, $0x38;
	[tilespmem:$0x9E80] =	vst v63  }
0x8d: {  	_ =	swait.ge [sflag:s9], $0x100  }
0x8e: {  	[sflag:s9] =	ssyncset.done $0x0  }
0x8f: {  	s10 =	sadd.s32 $0x13000, s10;
	s31 =	simm.s32 $0x5780;
	[sflag:s9] =	ssyncadd.s32 $0xFFFFFF00  }
0x90: {  	[tilespmem:s31], [sflag:$0x3] =	stream.linear.gather [spmem:s10], $0x100, $0x38;
	[tilespmem:$0x9E80] =	vst v63  }
0x91: {  	_ =	swait.ge [sflag:s9], $0x100  }
0x92: {  	[sflag:s9] =	ssyncset.done $0x0  }
0x93: {  	s10 =	simm.s32 $0x0;
	[sflag:s9] =	ssyncadd.s32 $0xFFFFFF00  }
0x94: {  	v0 =	vld [tilespmem:s10+$0x4480]  }
0x95: {  	v1 =	vld [tilespmem:s10+$0x4580];
	_ =	sdelay $0x1  }
0x96: {  	v2 =	vld [tilespmem:s10+$0x4680];
	_ =	sdelay $0x1  }
0x97: {  	v3 =	vld [tilespmem:s10+$0x4780]  }
0x98: {  	vm0 =	vgt.s32 v1, v0  }
0x99: {  	v0 =	vsel vm0, v1, v0;
	v1 =	vld [tilespmem:s10+$0x4880]  }
0x9a: {  	vm9 =	vgt.s32 v2, v0  }
0x9b: {  	v0 =	vsel vm9, v2, v0;
	v2 =	vld [tilespmem:s10+$0x4980]  }
0x9c: {  	vm1 =	vgt.s32 v3, v0  }
0x9d: {  	v0 =	vsel vm1, v3, v0;
	v3 =	vld [tilespmem:s10+$0x4A80]  }
0x9e: {  	vm8 =	vgt.s32 v1, v0  }
0x9f: {  	v0 =	vsel vm8, v1, v0;
	v1 =	vld [tilespmem:s10+$0x4B80]  }
0xa0: {  	vm2 =	vgt.s32 v2, v0  }
0xa1: {  	v0 =	vsel vm2, v2, v0;
	v2 =	vld [tilespmem:s10+$0x4C80]  }
0xa2: {  	vm5 =	vgt.s32 v3, v0  }
0xa3: {  	v0 =	vsel vm5, v3, v0;
	v3 =	vld [tilespmem:s10+$0x4D80]  }
0xa4: {  	v4 =	vld [tilespmem:s10+$0x4F80];
	vm3 =	vgt.s32 v1, v0  }
0xa5: {  	s9 =	simm.s32 $0x10;
	v0 =	vsel vm3, v1, v0;
	v1 =	vld [tilespmem:s10+$0x4E80]  }
0xa6: {  	v5 =	vld [tilespmem:s9+$0x4480];
	vm6 =	vgt.s32 v2, v0  }
0xa7: {  	v6 =	vld [tilespmem:s9+$0x4580];
	v0 =	vsel vm6, v2, v0  }
0xa8: {  	v7 =	vld [tilespmem:s9+$0x4680];
	vm4 =	vgt.s32 v3, v0  }
0xa9: {  	v2 =	vld [tilespmem:s10+$0x5080];
	v3 =	vsel vm4, v3, v0  }
0xaa: {  	v8 =	vld [tilespmem:s10+$0x5180];
	v0 =	vimm.s32 $0x0;
	vm7 =	vgt.s32 v1, v3  }
0xab: {  	v9 =	vld [tilespmem:s9+$0x4780];
	v10 =	vsel vm0, $0x1, v0;
	v1 =	vsel vm7, v1, v3  }
0xac: {  	vm0 =	vgt.s32 v6, v5;
	v3 =	vsel vm9, $0x2, v10;
	v10 =	vld [tilespmem:s10+$0x5280];
	vm9 =	vgt.s32 v4, v1  }
0xad: {  	v5 =	vsel vm0, v6, v5;
	v6 =	vld [tilespmem:s9+$0x4880];
	v3 =	vsel vm1, $0x3, v3;
	v1 =	vsel vm9, v4, v1  }
0xae: {  	vm1 =	vgt.s32 v7, v5;
	v3 =	vsel vm8, $0x4, v3;
	v4 =	vld [tilespmem:s10+$0x5380];
	vm8 =	vgt.s32 v2, v1  }
0xaf: {  	v5 =	vsel vm1, v7, v5;
	v7 =	vld [tilespmem:s9+$0x4980];
	v3 =	vsel vm2, $0x5, v3;
	v1 =	vsel vm8, v2, v1  }
0xb0: {  	v11 =	vld [tilespmem:s10+$0x5480];
	vm2 =	vgt.s32 v9, v5;
	v2 =	vsel vm5, $0x6, v3;
	vm10 =	vgt.s32 v8, v1  }
0xb1: {  	v3 =	vsel vm2, v9, v5;
	v5 =	vld [tilespmem:s9+$0x4A80];
	v2 =	vsel vm3, $0x7, v2;
	v1 =	vsel vm10, v8, v1  }
0xb2: {  	v9 =	vld [tilespmem:s10+$0x5580];
	vm3 =	vgt.s32 v6, v3;
	v2 =	vsel vm6, $0x8, v2;
	vm11 =	vgt.s32 v10, v1  }
0xb3: {  	v3 =	vsel vm3, v6, v3;
	v6 =	vld [tilespmem:s9+$0x4B80];
	v2 =	vsel vm4, $0x9, v2;
	v1 =	vsel vm11, v10, v1  }
0xb4: {  	vm4 =	vgt.s32 v7, v3;
	v8 =	vsel vm7, $0xA, v2;
	v2 =	vld [tilespmem:s10+$0x5680];
	vm7 =	vgt.s32 v4, v1  }
0xb5: {  	v10 =	vsel vm4, v7, v3;
	v3 =	vld [tilespmem:s9+$0x4C80];
	v7 =	vsel vm9, $0xB, v8;
	v1 =	vsel vm7, v4, v1  }
0xb6: {  	vm5 =	vgt.s32 v5, v10;
	v8 =	vsel vm8, $0xC, v7;
	v7 =	vld [tilespmem:s10+$0x5780];
	vm9 =	vgt.s32 v11, v1  }
0xb7: {  	v5 =	vsel vm5, v5, v10;
	v4 =	vld [tilespmem:s9+$0x4D80];
	v8 =	vsel vm10, $0xD, v8;
	v10 =	vsel vm9, v11, v1  }
0xb8: {  	vm6 =	vgt.s32 v6, v5;
	v1 =	vld [tilespmem:s9+$0x4F80];
	v11 =	vsel vm11, $0xE, v8;
	vm8 =	vgt.s32 v9, v10  }
0xb9: {  	s11 =	simm.s32 $0x20;
	v8 =	vsel vm6, v6, v5;
	v6 =	vld [tilespmem:s9+$0x4E80];
	v11 =	vsel vm7, $0xF, v11;
	v9 =	vsel vm8, v9, v10  }
0xba: {  	s12 =	simm.s32 $0xC0;
	v5 =	vld [tilespmem:s11+$0x4480];
	vm7 =	vgt.s32 v3, v8;
	v10 =	vsel vm9, $0x10, v11;
	vm9 =	vgt.s32 v2, v9  }
.LBB2_7:
0xbb: {  	p0 =	sne.s32 s12, $0x3C0;
	v11 =	vld [tilespmem:s11+$0x4580];
	v3 =	vsel vm7, v3, v8;
	v8 =	vsel vm8, $0x11, v10;
	v2 =	vsel vm9, v2, v9  }
0xbc: {  	vm8 =	vgt.s32 v4, v3;
	v9 =	vld [tilespmem:s9+$0x5080];
	v8 =	vsel vm9, $0x12, v8;
	vm9 =	vgt.s32 v7, v2  }
0xbd: {  	v2 =	vld [tilespmem:s11+$0x4680];
	v3 =	vsel vm8, v4, v3;
	v4 =	vsel vm9, $0x13, v8  }
0xbe: {  	vm9 =	vgt.s32 v6, v3;
	v7 =	vld [tilespmem:s9+$0x5180];
	v4 =	vcvt.s32.f32 v4  }
0xbf: {  	v10 =	vsel vm0, $0x1, v0;
	v8 =	vld [tilespmem:s11+$0x4780];
	v3 =	vsel vm9, v6, v3  }
0xc0: {  	v6 =	vsel vm1, $0x2, v10;
	vm0 =	vgt.s32 v11, v5;
	vm10 =	vgt.s32 v1, v3;
	v10 =	vld [tilespmem:s9+$0x5280];
	[tilespmem:s10+$0x5880] =	vst v4;
	s10 =	smov.u32 s9;
	s9 =	smov.u32 s11  }
0xc1: {  	v6 =	vsel vm2, $0x3, v6;
	v4 =	vsel vm0, v11, v5;
	v5 =	vld [tilespmem:s9+$0x4880];
	v1 =	vsel vm10, v1, v3  }
0xc2: {  	v3 =	vsel vm3, $0x4, v6;
	vm1 =	vgt.s32 v2, v4;
	vm11 =	vgt.s32 v9, v1;
	v6 =	vld [tilespmem:s10+$0x5380]  }
0xc3: {  	v3 =	vsel vm4, $0x5, v3;
	v2 =	vsel vm1, v2, v4;
	v4 =	vld [tilespmem:s9+$0x4980];
	v1 =	vsel vm11, v9, v1  }
0xc4: {  	v3 =	vsel vm5, $0x6, v3;
	vm2 =	vgt.s32 v8, v2;
	vm12 =	vgt.s32 v7, v1;
	v9 =	vld [tilespmem:s10+$0x5480]  }
0xc5: {  	v3 =	vsel vm6, $0x7, v3;
	v2 =	vsel vm2, v8, v2;
	v8 =	vld [tilespmem:s9+$0x4A80];
	v1 =	vsel vm12, v7, v1  }
0xc6: {  	v3 =	vsel vm7, $0x8, v3;
	vm3 =	vgt.s32 v5, v2;
	vm7 =	vgt.s32 v10, v1;
	v11 =	vld [tilespmem:s10+$0x5580]  }
0xc7: {  	v5 =	vsel vm3, v5, v2;
	v12 =	vld [tilespmem:s9+$0x4B80];
	v2 =	vsel vm8, $0x9, v3;
	v1 =	vsel vm7, v10, v1  }
0xc8: {  	vm4 =	vgt.s32 v4, v5;
	v7 =	vsel vm9, $0xA, v2;
	vm9 =	vgt.s32 v6, v1;
	v2 =	vld [tilespmem:s10+$0x5680]  }
0xc9: {  	v4 =	vsel vm4, v4, v5;
	v3 =	vld [tilespmem:s9+$0x4C80];
	v5 =	vsel vm10, $0xB, v7;
	v1 =	vsel vm9, v6, v1  }
.Ltmp3:
0xca: {  	vm5 =	vgt.s32 v8, v4;
	v5 =	vsel vm11, $0xC, v5;
	vm10 =	vgt.s32 v9, v1;
	v7 =	vld [tilespmem:s10+$0x5780];
	(pc) =	sbr.rel @p0 .LBB2_7-.Ltmp3, $4  }
0xcb: {  	v6 =	vsel vm5, v8, v4;
	v4 =	vld [tilespmem:s9+$0x4D80];
	v5 =	vsel vm12, $0xD, v5;
	v9 =	vsel vm10, v9, v1  }
0xcc: {  	vm6 =	vgt.s32 v12, v6;
	v1 =	vld [tilespmem:s9+$0x4F80];
	v5 =	vsel vm7, $0xE, v5;
	vm8 =	vgt.s32 v11, v9  }
0xcd: {  	s11 =	sshra.s32 s12, $0x2;
	v8 =	vsel vm6, v12, v6;
	v6 =	vld [tilespmem:s9+$0x4E80];
	v10 =	vsel vm9, $0xF, v5;
	v9 =	vsel vm8, v11, v9  }
0xce: {  	s12 =	sadd.s32 $0x40, s12;
	v5 =	vld [tilespmem:s11+$0x4480];
	vm7 =	vgt.s32 v3, v8;
	v10 =	vsel vm10, $0x10, v10;
	vm9 =	vgt.s32 v2, v9  }
0xcf: {  	v11 =	vld [tilespmem:s11+$0x4580];
	v10 =	vsel vm8, $0x11, v10;
	v2 =	vsel vm9, v2, v9  }
0xd0: {  	v34 =	vld [tilespmem:s9+$0x5080];
	v10 =	vsel vm9, $0x12, v10;
	vm13 =	vgt.s32 v7, v2  }
0xd1: {  	v35 =	vld [tilespmem:s11+$0x4680];
	v3 =	vsel vm7, v3, v8;
	v7 =	vsel vm13, $0x13, v10  }
0xd2: {  	v36 =	vld [tilespmem:s9+$0x5180];
	vm9 =	vgt.s32 v4, v3;
	v7 =	vcvt.s32.f32 v7  }
0xd3: {  	v37 =	vld [tilespmem:s11+$0x4780];
	v3 =	vsel vm9, v4, v3  }
0xd4: {  	v38 =	vld [tilespmem:s9+$0x5280];
	vm10 =	vgt.s32 v6, v3;
	[tilespmem:s10+$0x5880] =	vst v7;
	vm8 =	vgt.s32 v11, v5  }
0xd5: {  	v39 =	vsel vm0, $0x1, v0;
	v3 =	vsel vm10, v6, v3;
	v5 =	vsel vm8, v11, v5;
	v40 =	vld [tilespmem:s11+$0x4880]  }
0xd6: {  	v7 =	vsel vm1, $0x2, v39;
	vm11 =	vgt.s32 v1, v3;
	vm0 =	vgt.s32 v35, v5  }
0xd7: {  	v7 =	vsel vm2, $0x3, v7;
	v1 =	vsel vm11, v1, v3;
	v41 =	vld [tilespmem:s11+$0x4980];
	v2 =	vsel vm0, v35, v5  }
0xd8: {  	v43 =	vld [tilespmem:s9+$0x5380];
	v42 =	vsel vm3, $0x4, v7;
	vm12 =	vgt.s32 v34, v1;
	vm1 =	vgt.s32 v37, v2  }
0xd9: {  	v44 =	vld [tilespmem:s11+$0x4A80];
	v5 =	vsel vm4, $0x5, v42;
	v1 =	vsel vm12, v34, v1;
	v2 =	vsel vm1, v37, v2  }
0xda: {  	v45 =	vld [tilespmem:s9+$0x5480];
	v5 =	vsel vm5, $0x6, v5;
	vm13 =	vgt.s32 v36, v1;
	vm2 =	vgt.s32 v40, v2  }
0xdb: {  	v46 =	vld [tilespmem:s11+$0x4B80];
	v5 =	vsel vm6, $0x7, v5;
	v1 =	vsel vm13, v36, v1;
	v2 =	vsel vm2, v40, v2  }
0xdc: {  	v47 =	vld [tilespmem:s9+$0x5580];
	v5 =	vsel vm7, $0x8, v5;
	vm14 =	vgt.s32 v38, v1;
	vm3 =	vgt.s32 v41, v2  }
0xdd: {  	v48 =	vld [tilespmem:s11+$0x4C80];
	v5 =	vsel vm9, $0x9, v5;
	v1 =	vsel vm14, v38, v1;
	v2 =	vsel vm3, v41, v2  }
0xde: {  	v50 =	vld [tilespmem:s9+$0x5680];
	v49 =	vsel vm10, $0xA, v5;
	vm15 =	vgt.s32 v43, v1;
	vm4 =	vgt.s32 v44, v2  }
0xdf: {  	v51 =	vld [tilespmem:s11+$0x4D80];
	v4 =	vsel vm11, $0xB, v49;
	v1 =	vsel vm15, v43, v1;
	v2 =	vsel vm4, v44, v2  }
0xe0: {  	v52 =	vld [tilespmem:s9+$0x5780];
	v4 =	vsel vm12, $0xC, v4;
	vm12 =	vgt.s32 v45, v1;
	vm5 =	vgt.s32 v46, v2  }
0xe1: {  	v53 =	vld [tilespmem:s11+$0x4E80];
	v4 =	vsel vm13, $0xD, v4;
	v1 =	vsel vm12, v45, v1;
	v2 =	vsel vm5, v46, v2  }
0xe2: {  	v4 =	vsel vm14, $0xE, v4;
	vm13 =	vgt.s32 v47, v1;
	vm6 =	vgt.s32 v48, v2  }
0xe3: {  	v54 =	vld [tilespmem:s11+$0x4F80];
	v4 =	vsel vm15, $0xF, v4;
	v1 =	vsel vm13, v47, v1;
	v2 =	vsel vm6, v48, v2  }
0xe4: {  	v55 =	vsel vm12, $0x10, v4;
	vm14 =	vgt.s32 v50, v1;
	vm9 =	vgt.s32 v51, v2  }
0xe5: {  	v56 =	vld [tilespmem:s11+$0x5080];
	v3 =	vsel vm13, $0x11, v55;
	v1 =	vsel vm14, v50, v1;
	v2 =	vsel vm9, v51, v2  }
0xe6: {  	v3 =	vsel vm14, $0x12, v3;
	vm15 =	vgt.s32 v52, v1;
	vm12 =	vgt.s32 v53, v2  }
0xe7: {  	v57 =	vld [tilespmem:s11+$0x5180];
	v58 =	vsel vm8, $0x1, v0;
	v1 =	vsel vm15, $0x13, v3;
	v2 =	vsel vm12, v53, v2  }
0xe8: {  	v0 =	vsel vm0, $0x2, v58;
	v1 =	vcvt.s32.f32 v1;
	vm13 =	vgt.s32 v54, v2  }
0xe9: {  	v59 =	vld [tilespmem:s11+$0x5280];
	v0 =	vsel vm1, $0x3, v0;
	v2 =	vsel vm13, v54, v2  }
0xea: {  	v0 =	vsel vm2, $0x4, v0;
	[tilespmem:s9+$0x5880] =	vst v1;
	vm14 =	vgt.s32 v56, v2  }
0xeb: {  	v0 =	vsel vm3, $0x5, v0;
	v1 =	vld [tilespmem:s11+$0x5380];
	v2 =	vsel vm14, v56, v2  }
0xec: {  	v0 =	vsel vm4, $0x6, v0;
	vm15 =	vgt.s32 v57, v2  }
0xed: {  	v0 =	vsel vm5, $0x7, v0;
	v60 =	vld [tilespmem:s11+$0x5480];
	v2 =	vsel vm15, v57, v2  }
0xee: {  	v0 =	vsel vm6, $0x8, v0;
	vm8 =	vgt.s32 v59, v2  }
0xef: {  	v0 =	vsel vm9, $0x9, v0;
	v61 =	vld [tilespmem:s11+$0x5580];
	v2 =	vsel vm8, v59, v2  }
0xf0: {  	v0 =	vsel vm12, $0xA, v0;
	vm11 =	vgt.s32 v1, v2  }
0xf1: {  	v62 =	vld [tilespmem:s11+$0x5680];
	v0 =	vsel vm13, $0xB, v0;
	v1 =	vsel vm11, v1, v2  }
0xf2: {  	v0 =	vsel vm14, $0xC, v0;
	vm12 =	vgt.s32 v60, v1  }
0xf3: {  	v63 =	vld [tilespmem:s11+$0x5780];
	v0 =	vsel vm15, $0xD, v0;
	v1 =	vsel vm12, v60, v1  }
0xf4: {  	v0 =	vsel vm8, $0xE, v0;
	vm13 =	vgt.s32 v61, v1  }
0xf5: {  	v0 =	vsel vm11, $0xF, v0;
	v1 =	vsel vm13, v61, v1  }
0xf6: {  	v0 =	vsel vm12, $0x10, v0;
	vm14 =	vgt.s32 v62, v1  }
0xf7: {  	v0 =	vsel vm13, $0x11, v0;
	v1 =	vsel vm14, v62, v1  }
0xf8: {  	v0 =	vsel vm14, $0x12, v0;
	vm15 =	vgt.s32 v63, v1  }
0xf9: {  	v0 =	vsel vm15, $0x13, v0  }
0xfa: {  	v0 =	vcvt.s32.f32 v0  }
0xfb: {  	s28 =	sshll.u32 s1, $0x5  }
0xfc: {  	s29 =	simm.s32 $0x5880;
	s9 =	sadd.s32 s7, s28;
	s7 =	simm.s32 $0x0;
	[tilespmem:s11+$0x5880] =	vst v0  }
0xfd: {  	[hbm4b:s9+s7] =	stream.linear.scatter [tilespmem:s29], [sflag:$0x3], $0x100, $0x38;
	[tilespmem:$0x9E80] =	vst v63  }
0xfe: {  	s9 =	simm.s32 $0x3  }
0xff: {  	_ =	swait.ge [sflag:s9], $0x100  }
0x100: {  	[sflag:s9] =	ssyncset.done $0x0  }
0x101: {  	s8 =	sadd.s32 s8, s3;
	[sflag:s9] =	ssyncadd.s32 $0xFFFFFF00  }
0x102: {  	[spmem:s8] =	stream.linear.scatter [tilespmem:s29], [sflag:$0x3], $0x100, $0x38;
	[tilespmem:$0x9E80] =	vst v63  }
0x103: {  	_ =	swait.ge [sflag:s9], $0x100  }
0x104: {  	[sflag:s9] =	ssyncset.done $0x0  }
0x105: {  	s12 =	simm.s32 $0x0;
	[sflag:s9] =	ssyncadd.s32 $0xFFFFFF00  }
0x106: {  	s30 =	simm.s32 $0x5980;
	s8 =	simm.s32 $0x80;
	[bflag:$0x0] =	sbarrier.arrive $0xFFFF  }
0x107: {  	[tilespmem:s30], [sflag:$0x2] =	stream.indirect.gather [spmem:s3], $0x1, s12, s8, $0xb8;
	[tilespmem:$0x9E80] =	vst v63  }
0x108: {  	s10 =	simm.s32 $0x6980;
	s11 =	simm.s32 $0x1  }
0x109: {  	[tilespmem:s10], [sflag:$0x1] =	stream.indirect.gather [hbm4b:s4+s8], $0x40, s12, s8, $0xb8;
	[tilespmem:$0x9E80] =	vst v63  }
0x10a: {  	_ =	swait.ge [sflag:s11], $0x2000  }
0x10b: {  	s31 =	sshll.u32 s1, $0xF;
	[sflag:s11] =	ssyncset.done $0x0  }
0x10c: {  	s12 =	sadd.s32 s31, s6;
	[sflag:s11] =	ssyncadd.s32 $0xFFFFE000  }
0x10d: {  	[hbm4b:s12+s7] =	stream.linear.scatter [tilespmem:s10], [sflag:$0x3], $0x2000, $0x38;
	[tilespmem:$0x9E80] =	vst v63  }
0x10e: {  	_ =	swait.ge [sflag:s9], $0x2000  }
0x10f: {  	[sflag:s9] =	ssyncset.done $0x0  }
0x110: {  	s6 =	simm.s32 $0x2;
	[sflag:s9] =	ssyncadd.s32 $0xFFFFE000  }
0x111: {  	s14 =	simm.s32 $0x400;
	_ =	swait.ge [sflag:s6], $0x80  }
0x112: {  	s13 =	simm.s32 $0x80;
	s12 =	sadd.s32 $0x400, s12;
	[sflag:s6] =	ssyncset.done $0x0  }
.LBB2_9:
0x113: {  	s15 =	sadd.s32 $0x5980, s13  }
0x114: {  	[sflag:s6] =	ssyncadd.s32 $0xFFFFFF80;
	s16 =	smov.u32 s14;
	s17 =	sadd.s32 $0x200, s14  }
0x115: {  	[tilespmem:s15], [sflag:$0x2] =	stream.indirect.gather [spmem:s3], $0x1, s13, s8, $0xb8;
	[tilespmem:$0x9E80] =	vst v63  }
0x116: {  	p0 =	sne.s32 s14, $0x3E00  }
0x117: {  	[tilespmem:s10], [sflag:$0x1] =	stream.indirect.gather [hbm4b:s4+s8], $0x40, s13, s8, $0xb8;
	[tilespmem:$0x9E80] =	vst v63  }
0x118: {  	_ =	swait.ge [sflag:s11], $0x2000  }
0x119: {  	[sflag:s11] =	ssyncset.done $0x0  }
0x11a: {  	[sflag:s11] =	ssyncadd.s32 $0xFFFFE000  }
0x11b: {  	[hbm4b:s12+s7] =	stream.linear.scatter [tilespmem:s10], [sflag:$0x3], $0x2000, $0x38;
	[tilespmem:$0x9E80] =	vst v63  }
.Ltmp4:
0x11c: {  	_ =	swait.ge [sflag:s9], $0x2000;
	(pc) =	sbr.rel @p0 .LBB2_9-.Ltmp4, $4  }
0x11d: {  	[sflag:s9] =	ssyncset.done $0x0  }
0x11e: {  	[sflag:s9] =	ssyncadd.s32 $0xFFFFE000  }
0x11f: {  	s14 =	smov.u32 s17;
	_ =	swait.ge [sflag:s6], $0x80  }
0x120: {  	s13 =	sshra.s32 s16, $0x2;
	s12 =	sadd.s32 $0x400, s12;
	[sflag:s6] =	ssyncset.done $0x0  }
0x121: {  	s14 =	sadd.s32 $0x5980, s13;
	[sflag:s6] =	ssyncadd.s32 $0xFFFFFF80  }
0x122: {  	[tilespmem:s14], [sflag:$0x2] =	stream.indirect.gather [spmem:s3], $0x1, s13, s8, $0xb8;
	[tilespmem:$0x9E80] =	vst v63  }
0x123: {  	_ = 	snop  }
0x124: {  	[tilespmem:s10], [sflag:$0x1] =	stream.indirect.gather [hbm4b:s4+s8], $0x40, s13, s8, $0xb8;
	[tilespmem:$0x9E80] =	vst v63  }
0x125: {  	_ =	swait.ge [sflag:s11], $0x2000  }
0x126: {  	[sflag:s11] =	ssyncset.done $0x0  }
0x127: {  	[sflag:s11] =	ssyncadd.s32 $0xFFFFE000  }
0x128: {  	[hbm4b:s12+s7] =	stream.linear.scatter [tilespmem:s10], [sflag:$0x3], $0x2000, $0x38;
	[tilespmem:$0x9E80] =	vst v63  }
0x129: {  	_ =	swait.ge [sflag:s9], $0x2000  }
0x12a: {  	[sflag:s9] =	ssyncset.done $0x0  }
0x12b: {  	[sflag:s9] =	ssyncadd.s32 $0xFFFFE000  }
0x12c: {  	_ =	swait.ge [sflag:s6], $0x80  }
0x12d: {  	s2 =	sadd.s32 s2, s5;
	s29 =	simm.s32 $0x0;
	[sflag:s6] =	ssyncset.done $0x0  }
0x12e: {  	s30 =	simm.s32 $0x5980;
	s31 =	simm.s32 $0x3;
	[sflag:s6] =	ssyncadd.s32 $0xFFFFFF80  }
0x12f: {  	[hbm4b:s2+s29] =	stream.linear.scatter [tilespmem:s30], [sflag:$0x3], $0x1000, $0x38;
	[tilespmem:$0x9E80] =	vst v63  }
0x130: {  	_ =	swait.ge [sflag:s31], $0x1000  }
0x131: {  	[sflag:s31] =	ssyncset.done $0x0  }
0x132: {  	[sflag:s31] =	ssyncadd.s32 $0xFFFFF000  }
0x133: {  	[bflag:$0x0] =	sbarrier.arrive $0xFFFF  }
0x134: {  	_ =	sfence.sel $0x180000  }
0x135: {  	[bflag:$0x0] =	sbarrier.arrive $0xFFFF  }
0x136: {  	p0 =	sne.s32 s1, $0x0;
	_ =	strace $0x90000047  }
0x137: {  	s0 =	sadd.s32 @!p0 $0x100000, s0;
	[bflag:$0x2] =	sbarrier.arrive $0xFFFF  }
0x138: {  	[sflag:s0] =	ssyncadd.tile.s32 @!p0 $0x1;
	_ =	shalt  }
.Lfunc_end2:
_tile_overlayer_lowered:
.L_overlay_start_2:
0x139: {  	(tag) =	ssettag $0x2  }
0x13a: {  	s0 =	rddreg [dreg:$0x0];
	s2 =	stileid.u32  }
0x13b: {  	s1 =	rddreg [dreg:$0x1];
	p0 =	sne.s32 s2, $0x0  }
0x13c: {  	s3 =	rddreg [dreg:$0x2];
	[bflag:$0x3] =	sbarrier.arrive $0xFFFF;
	s2 =	simm.s32 @!p0 $0x1C03  }
0x13d: {  	[timem:s3], [sflag:s2] =	dma.local @!p0 [hbm:s0], s1  }
0x13e: {  	s0 =	simm.s32 @!p0 $0x3  }
0x13f: {  	_ =	swait.ge @!p0 [sflag:s0], s1  }
0x140: {  	s1 =	ssub.s32 @!p0 $0x0, s1;
	[sflag:s0] =	ssyncset.done @!p0 $0x0  }
0x141: {  	[sflag:s0] =	ssyncadd.s32 @!p0 s1  }
0x142: {  	[bflag:$0x3] =	sbarrier.arrive $0xFFFF  }
0x143: {  	_ =	shalt  }

</sc_bundles>
